<compile_context>
chip_gen: v7x
topology: tpu7x:2x2x1
jax: 0.10.2.dev20260603
libtpu: 0.0.44.dev20260713+nightly
codegen_flags: <defaults>
</compile_context>

<pallas_src>
import functools
import jax
import jax.numpy as jnp
from jax import lax
from jax.experimental import pallas as pl
from jax.experimental.pallas import tpu as pltpu, tpu_sc as plsc

NCH = 384
ROWS = 25088
NW = 32
RPW = ROWS // NW
R = 56
NCHUNK = RPW // R
NG = NCH // 16


def _make_sc_kernel():
    mesh = plsc.VectorSubcoreMesh(core_axis_name="c", subcore_axis_name="s")

    @functools.partial(
        pl.kernel,
        mesh=mesh,
        out_type=jax.ShapeDtypeStruct((ROWS, NCH), jnp.float32),
        scratch_types=[
            pltpu.VMEM((R, NCH), jnp.float32),
            pltpu.VMEM((R, NCH), jnp.float32),
            pltpu.VMEM((R, NCH), jnp.float32),
            pltpu.VMEM((R, NCH), jnp.float32),
            pltpu.SemaphoreType.DMA,
            pltpu.SemaphoreType.DMA,
            pltpu.SemaphoreType.DMA,
            pltpu.SemaphoreType.DMA,
        ],
    )
    def k(x_hbm, o_hbm, in0, in1, out0, out1, gsem0, gsem1, ssem0, ssem1):
        wid = lax.axis_index("s") * 2 + lax.axis_index("c")
        base = wid * RPW

        ins = (in0, in1)
        outs = (out0, out1)
        gsems = (gsem0, gsem1)
        ssems = (ssem0, ssem1)

        def load(j):
            lo = pl.multiple_of(base + j * R, 8)
            return pltpu.make_async_copy(
                x_hbm.at[pl.ds(lo, R)], ins[j % 2], gsems[j % 2]
            )

        def store(j):
            lo = pl.multiple_of(base + j * R, 8)
            return pltpu.make_async_copy(
                outs[j % 2], o_hbm.at[pl.ds(lo, R)], ssems[j % 2]
            )

        def reverse_lanes(src, dst):
            @functools.partial(plsc.parallel_loop, 0, R, unroll=2)
            def _loop(i):
                for g in range(NG):
                    t = src[i, pl.ds(NCH - 16 * (g + 1), 16)]
                    dst[i, pl.ds(16 * g, 16)] = lax.rev(t, (0,))

        load(0).start()
        for j in range(NCHUNK):
            s = j % 2
            if j + 1 < NCHUNK:
                load(j + 1).start()
            load(j).wait()
            if j >= 2:
                store(j - 2).wait()
            reverse_lanes(ins[s], outs[s])
            store(j).start()
        store(NCHUNK - 2).wait()
        store(NCHUNK - 1).wait()

    return k


_sc_kernel = _make_sc_kernel()


def kernel(input):
    b, c, h, w = input.shape
    xt = jnp.transpose(input, (0, 2, 3, 1)).reshape(b * h * w, c)
    out = _sc_kernel(xt)
    return jnp.transpose(out.reshape(b, h, w, c), (0, 3, 1, 2))

# --- scband reference (transcript-rebuilt; emitter-appended) ---
"""Pipeline reference for scband-permute2d-2293512536604 (READ-ONLY COPY).

The authoritative reference and input builder live on the scoring server;
editing this copy changes nothing except your own understanding.
"""

import jax, jax.numpy as jnp
import numpy as np

NUM_CHANNELS = 384

def setup_inputs(seed: int = 0) -> dict:
    key = jax.random.key(seed)
    x = jax.random.normal(key, (8, NUM_CHANNELS, 56, 56), dtype=jnp.float32)
    return {"input": x}

def reference(input):
    # Permute2d with shuffle=False: indices = arange(num_channels-1, -1, -1)
    # forward (reverse=False): gather channels by indices
    indices = jnp.arange(NUM_CHANNELS - 1, -1, -1, dtype=jnp.int32)
    out = jnp.take(input, indices, axis=1)
    return out

if __name__ == "__main__":
    import jax
    _d = setup_inputs()
    print(jax.jit(kernel)(*tuple(_d.values())))

</pallas_src>

<mosaic_0001>
#map = affine_map<(d0, d1) -> (0, 0)>
module attributes {stable_mosaic.version = 14 : i64} {
  func.func @k(%arg0: i32, %arg1: i32, %arg2: memref<25088x384xf32, #tpu.memory_space<hbm>>, %arg3: memref<25088x384xf32, #tpu.memory_space<hbm>>, %arg4: memref<56x384xf32, #tpu.memory_space<vmem>>, %arg5: memref<56x384xf32, #tpu.memory_space<vmem>>, %arg6: memref<56x384xf32, #tpu.memory_space<vmem>>, %arg7: memref<56x384xf32, #tpu.memory_space<vmem>>, %arg8: memref<!tpu.dma_semaphore, #tpu.memory_space<semaphore_mem>>, %arg9: memref<!tpu.dma_semaphore, #tpu.memory_space<semaphore_mem>>, %arg10: memref<!tpu.dma_semaphore, #tpu.memory_space<semaphore_mem>>, %arg11: memref<!tpu.dma_semaphore, #tpu.memory_space<semaphore_mem>>) attributes {dimension_semantics = [#tpu.dimension_semantics<core_parallel>, #tpu.dimension_semantics<subcore_parallel>], iteration_bounds = array<i64: 2, 16>, scalar_prefetch = 0 : i64, scratch_operands = 8 : i64, tpu.core_type = #tpu.core_type<sc_vector_subcore>, window_params = [{transform_indices = #map}, {transform_indices = #map}]} {
    %mul3A = arith.constant 2 : i32
    %mul3A_0 = arith.muli %arg1, %mul3A : i32
    %add3A = arith.addi %mul3A_0, %arg0 : i32
    %mul3A_1 = arith.constant 784 : i32
    %mul3A_2 = arith.muli %add3A, %mul3A_1 : i32
    %add3A_3 = arith.constant 0 : i32
    %add3A_4 = arith.addi %mul3A_2, %add3A_3 : i32
    %multiple_of3A = tpu.assume_multiple %add3A_4, 8 : i32
    %dma_start3A = arith.constant 0 : i32
    %dma_start3A_5 = tpu.memref_slice %arg2[%multiple_of3A, %dma_start3A] : memref<25088x384xf32, #tpu.memory_space<hbm>> -> memref<56x384xf32, #tpu.memory_space<hbm>>
    %dma_start3A_6 = arith.constant 0 : i32
    %dma_start3A_7 = tpu.memref_slice %arg2[%multiple_of3A, %dma_start3A_6] : memref<25088x384xf32, #tpu.memory_space<hbm>> -> memref<56x384xf32, #tpu.memory_space<hbm>>
    tpu.enqueue_dma source(%dma_start3A_7 : memref<56x384xf32, #tpu.memory_space<hbm>>) target(%arg4 : memref<56x384xf32, #tpu.memory_space<vmem>>) target_semaphore(%arg8 : memref<!tpu.dma_semaphore, #tpu.memory_space<semaphore_mem>>)
    %add3A_8 = arith.constant 56 : i32
    %add3A_9 = arith.addi %mul3A_2, %add3A_8 : i32
    %multiple_of3A_10 = tpu.assume_multiple %add3A_9, 8 : i32
    %dma_start3A_11 = arith.constant 0 : i32
    %dma_start3A_12 = tpu.memref_slice %arg2[%multiple_of3A_10, %dma_start3A_11] : memref<25088x384xf32, #tpu.memory_space<hbm>> -> memref<56x384xf32, #tpu.memory_space<hbm>>
    %dma_start3A_13 = arith.constant 0 : i32
    %dma_start3A_14 = tpu.memref_slice %arg2[%multiple_of3A_10, %dma_start3A_13] : memref<25088x384xf32, #tpu.memory_space<hbm>> -> memref<56x384xf32, #tpu.memory_space<hbm>>
    tpu.enqueue_dma source(%dma_start3A_14 : memref<56x384xf32, #tpu.memory_space<hbm>>) target(%arg5 : memref<56x384xf32, #tpu.memory_space<vmem>>) target_semaphore(%arg9 : memref<!tpu.dma_semaphore, #tpu.memory_space<semaphore_mem>>)
    %add3A_15 = arith.constant 0 : i32
    %add3A_16 = arith.addi %mul3A_2, %add3A_15 : i32
    %multiple_of3A_17 = tpu.assume_multiple %add3A_16, 8 : i32
    %dma_wait3A = arith.constant 0 : i32
    %dma_wait3A_18 = tpu.memref_slice %arg2[%multiple_of3A_17, %dma_wait3A] : memref<25088x384xf32, #tpu.memory_space<hbm>> -> memref<56x384xf32, #tpu.memory_space<hbm>>
    %dma_wait3A_19 = arith.constant 0 : i32
    %dma_wait3A_20 = tpu.memref_slice %arg2[%multiple_of3A_17, %dma_wait3A_19] : memref<25088x384xf32, #tpu.memory_space<hbm>> -> memref<56x384xf32, #tpu.memory_space<hbm>>
    tpu.wait_dma2 semaphore(%arg8 : memref<!tpu.dma_semaphore, #tpu.memory_space<semaphore_mem>>) src(%dma_wait3A_20 : memref<56x384xf32, #tpu.memory_space<hbm>>) dst(%arg4 : memref<56x384xf32, #tpu.memory_space<vmem>>)
    %add3A_21 = arith.constant 0 : i32
    %add3A_22 = arith.addi %mul3A_2, %add3A_21 : i32
    %multiple_of3A_23 = tpu.assume_multiple %add3A_22, 8 : i32
    %dma_start3A_24 = arith.constant 0 : i32
    %dma_start3A_25 = tpu.memref_slice %arg3[%multiple_of3A_23, %dma_start3A_24] : memref<25088x384xf32, #tpu.memory_space<hbm>> -> memref<56x384xf32, #tpu.memory_space<hbm>>
    %dma_start3A_26 = arith.constant 0 : i32
    %dma_start3A_27 = tpu.memref_slice %arg3[%multiple_of3A_23, %dma_start3A_26] : memref<25088x384xf32, #tpu.memory_space<hbm>> -> memref<56x384xf32, #tpu.memory_space<hbm>>
    tpu.enqueue_dma source(%arg6 : memref<56x384xf32, #tpu.memory_space<vmem>>) target(%dma_start3A_27 : memref<56x384xf32, #tpu.memory_space<hbm>>) target_semaphore(%arg10 : memref<!tpu.dma_semaphore, #tpu.memory_space<semaphore_mem>>)
    %add3A_28 = arith.constant 112 : i32
    %add3A_29 = arith.addi %mul3A_2, %add3A_28 : i32
    %multiple_of3A_30 = tpu.assume_multiple %add3A_29, 8 : i32
    %dma_start3A_31 = arith.constant 0 : i32
    %dma_start3A_32 = tpu.memref_slice %arg2[%multiple_of3A_30, %dma_start3A_31] : memref<25088x384xf32, #tpu.memory_space<hbm>> -> memref<56x384xf32, #tpu.memory_space<hbm>>
    %dma_start3A_33 = arith.constant 0 : i32
    %dma_start3A_34 = tpu.memref_slice %arg2[%multiple_of3A_30, %dma_start3A_33] : memref<25088x384xf32, #tpu.memory_space<hbm>> -> memref<56x384xf32, #tpu.memory_space<hbm>>
    tpu.enqueue_dma source(%dma_start3A_34 : memref<56x384xf32, #tpu.memory_space<hbm>>) target(%arg4 : memref<56x384xf32, #tpu.memory_space<vmem>>) target_semaphore(%arg8 : memref<!tpu.dma_semaphore, #tpu.memory_space<semaphore_mem>>)
    %add3A_35 = arith.constant 56 : i32
    %add3A_36 = arith.addi %mul3A_2, %add3A_35 : i32
    %multiple_of3A_37 = tpu.assume_multiple %add3A_36, 8 : i32
    %dma_wait3A_38 = arith.constant 0 : i32
    %dma_wait3A_39 = tpu.memref_slice %arg2[%multiple_of3A_37, %dma_wait3A_38] : memref<25088x384xf32, #tpu.memory_space<hbm>> -> memref<56x384xf32, #tpu.memory_space<hbm>>
    %dma_wait3A_40 = arith.constant 0 : i32
    %dma_wait3A_41 = tpu.memref_slice %arg2[%multiple_of3A_37, %dma_wait3A_40] : memref<25088x384xf32, #tpu.memory_space<hbm>> -> memref<56x384xf32, #tpu.memory_space<hbm>>
    tpu.wait_dma2 semaphore(%arg9 : memref<!tpu.dma_semaphore, #tpu.memory_space<semaphore_mem>>) src(%dma_wait3A_41 : memref<56x384xf32, #tpu.memory_space<hbm>>) dst(%arg5 : memref<56x384xf32, #tpu.memory_space<vmem>>)
    %add3A_42 = arith.constant 56 : i32
    %add3A_43 = arith.addi %mul3A_2, %add3A_42 : i32
    %multiple_of3A_44 = tpu.assume_multiple %add3A_43, 8 : i32
    %dma_start3A_45 = arith.constant 0 : i32
    %dma_start3A_46 = tpu.memref_slice %arg3[%multiple_of3A_44, %dma_start3A_45] : memref<25088x384xf32, #tpu.memory_space<hbm>> -> memref<56x384xf32, #tpu.memory_space<hbm>>
    %dma_start3A_47 = arith.constant 0 : i32
    %dma_start3A_48 = tpu.memref_slice %arg3[%multiple_of3A_44, %dma_start3A_47] : memref<25088x384xf32, #tpu.memory_space<hbm>> -> memref<56x384xf32, #tpu.memory_space<hbm>>
    tpu.enqueue_dma source(%arg7 : memref<56x384xf32, #tpu.memory_space<vmem>>) target(%dma_start3A_48 : memref<56x384xf32, #tpu.memory_space<hbm>>) target_semaphore(%arg11 : memref<!tpu.dma_semaphore, #tpu.memory_space<semaphore_mem>>)
    %add3A_49 = arith.constant 168 : i32
    %add3A_50 = arith.addi %mul3A_2, %add3A_49 : i32
    %multiple_of3A_51 = tpu.assume_multiple %add3A_50, 8 : i32
    %dma_start3A_52 = arith.constant 0 : i32
    %dma_start3A_53 = tpu.memref_slice %arg2[%multiple_of3A_51, %dma_start3A_52] : memref<25088x384xf32, #tpu.memory_space<hbm>> -> memref<56x384xf32, #tpu.memory_space<hbm>>
    %dma_start3A_54 = arith.constant 0 : i32
    %dma_start3A_55 = tpu.memref_slice %arg2[%multiple_of3A_51, %dma_start3A_54] : memref<25088x384xf32, #tpu.memory_space<hbm>> -> memref<56x384xf32, #tpu.memory_space<hbm>>
    tpu.enqueue_dma source(%dma_start3A_55 : memref<56x384xf32, #tpu.memory_space<hbm>>) target(%arg5 : memref<56x384xf32, #tpu.memory_space<vmem>>) target_semaphore(%arg9 : memref<!tpu.dma_semaphore, #tpu.memory_space<semaphore_mem>>)
    %add3A_56 = arith.constant 112 : i32
    %add3A_57 = arith.addi %mul3A_2, %add3A_56 : i32
    %multiple_of3A_58 = tpu.assume_multiple %add3A_57, 8 : i32
    %dma_wait3A_59 = arith.constant 0 : i32
    %dma_wait3A_60 = tpu.memref_slice %arg2[%multiple_of3A_58, %dma_wait3A_59] : memref<25088x384xf32, #tpu.memory_space<hbm>> -> memref<56x384xf32, #tpu.memory_space<hbm>>
    %dma_wait3A_61 = arith.constant 0 : i32
    %dma_wait3A_62 = tpu.memref_slice %arg2[%multiple_of3A_58, %dma_wait3A_61] : memref<25088x384xf32, #tpu.memory_space<hbm>> -> memref<56x384xf32, #tpu.memory_space<hbm>>
    tpu.wait_dma2 semaphore(%arg8 : memref<!tpu.dma_semaphore, #tpu.memory_space<semaphore_mem>>) src(%dma_wait3A_62 : memref<56x384xf32, #tpu.memory_space<hbm>>) dst(%arg4 : memref<56x384xf32, #tpu.memory_space<vmem>>)
    %add3A_63 = arith.constant 0 : i32
    %add3A_64 = arith.addi %mul3A_2, %add3A_63 : i32
    %multiple_of3A_65 = tpu.assume_multiple %add3A_64, 8 : i32
    %dma_wait3A_66 = arith.constant 0 : i32
    %dma_wait3A_67 = tpu.memref_slice %arg3[%multiple_of3A_65, %dma_wait3A_66] : memref<25088x384xf32, #tpu.memory_space<hbm>> -> memref<56x384xf32, #tpu.memory_space<hbm>>
    %dma_wait3A_68 = arith.constant 0 : i32
    %dma_wait3A_69 = tpu.memref_slice %arg3[%multiple_of3A_65, %dma_wait3A_68] : memref<25088x384xf32, #tpu.memory_space<hbm>> -> memref<56x384xf32, #tpu.memory_space<hbm>>
    tpu.wait_dma2 semaphore(%arg10 : memref<!tpu.dma_semaphore, #tpu.memory_space<semaphore_mem>>) src(%arg6 : memref<56x384xf32, #tpu.memory_space<vmem>>) dst(%dma_wait3A_69 : memref<56x384xf32, #tpu.memory_space<hbm>>)
    %add3A_70 = arith.constant 112 : i32
    %add3A_71 = arith.addi %mul3A_2, %add3A_70 : i32
    %multiple_of3A_72 = tpu.assume_multiple %add3A_71, 8 : i32
    %dma_start3A_73 = arith.constant 0 : i32
    %dma_start3A_74 = tpu.memref_slice %arg3[%multiple_of3A_72, %dma_start3A_73] : memref<25088x384xf32, #tpu.memory_space<hbm>> -> memref<56x384xf32, #tpu.memory_space<hbm>>
    %dma_start3A_75 = arith.constant 0 : i32
    %dma_start3A_76 = tpu.memref_slice %arg3[%multiple_of3A_72, %dma_start3A_75] : memref<25088x384xf32, #tpu.memory_space<hbm>> -> memref<56x384xf32, #tpu.memory_space<hbm>>
    tpu.enqueue_dma source(%arg6 : memref<56x384xf32, #tpu.memory_space<vmem>>) target(%dma_start3A_76 : memref<56x384xf32, #tpu.memory_space<hbm>>) target_semaphore(%arg10 : memref<!tpu.dma_semaphore, #tpu.memory_space<semaphore_mem>>)
    %add3A_77 = arith.constant 224 : i32
    %add3A_78 = arith.addi %mul3A_2, %add3A_77 : i32
    %multiple_of3A_79 = tpu.assume_multiple %add3A_78, 8 : i32
    %dma_start3A_80 = arith.constant 0 : i32
    %dma_start3A_81 = tpu.memref_slice %arg2[%multiple_of3A_79, %dma_start3A_80] : memref<25088x384xf32, #tpu.memory_space<hbm>> -> memref<56x384xf32, #tpu.memory_space<hbm>>
    %dma_start3A_82 = arith.constant 0 : i32
    %dma_start3A_83 = tpu.memref_slice %arg2[%multiple_of3A_79, %dma_start3A_82] : memref<25088x384xf32, #tpu.memory_space<hbm>> -> memref<56x384xf32, #tpu.memory_space<hbm>>
    tpu.enqueue_dma source(%dma_start3A_83 : memref<56x384xf32, #tpu.memory_space<hbm>>) target(%arg4 : memref<56x384xf32, #tpu.memory_space<vmem>>) target_semaphore(%arg8 : memref<!tpu.dma_semaphore, #tpu.memory_space<semaphore_mem>>)
    %add3A_84 = arith.constant 168 : i32
    %add3A_85 = arith.addi %mul3A_2, %add3A_84 : i32
    %multiple_of3A_86 = tpu.assume_multiple %add3A_85, 8 : i32
    %dma_wait3A_87 = arith.constant 0 : i32
    %dma_wait3A_88 = tpu.memref_slice %arg2[%multiple_of3A_86, %dma_wait3A_87] : memref<25088x384xf32, #tpu.memory_space<hbm>> -> memref<56x384xf32, #tpu.memory_space<hbm>>
    %dma_wait3A_89 = arith.constant 0 : i32
    %dma_wait3A_90 = tpu.memref_slice %arg2[%multiple_of3A_86, %dma_wait3A_89] : memref<25088x384xf32, #tpu.memory_space<hbm>> -> memref<56x384xf32, #tpu.memory_space<hbm>>
    tpu.wait_dma2 semaphore(%arg9 : memref<!tpu.dma_semaphore, #tpu.memory_space<semaphore_mem>>) src(%dma_wait3A_90 : memref<56x384xf32, #tpu.memory_space<hbm>>) dst(%arg5 : memref<56x384xf32, #tpu.memory_space<vmem>>)
    %add3A_91 = arith.constant 56 : i32
    %add3A_92 = arith.addi %mul3A_2, %add3A_91 : i32
    %multiple_of3A_93 = tpu.assume_multiple %add3A_92, 8 : i32
    %dma_wait3A_94 = arith.constant 0 : i32
    %dma_wait3A_95 = tpu.memref_slice %arg3[%multiple_of3A_93, %dma_wait3A_94] : memref<25088x384xf32, #tpu.memory_space<hbm>> -> memref<56x384xf32, #tpu.memory_space<hbm>>
    %dma_wait3A_96 = arith.constant 0 : i32
    %dma_wait3A_97 = tpu.memref_slice %arg3[%multiple_of3A_93, %dma_wait3A_96] : memref<25088x384xf32, #tpu.memory_space<hbm>> -> memref<56x384xf32, #tpu.memory_space<hbm>>
    tpu.wait_dma2 semaphore(%arg11 : memref<!tpu.dma_semaphore, #tpu.memory_space<semaphore_mem>>) src(%arg7 : memref<56x384xf32, #tpu.memory_space<vmem>>) dst(%dma_wait3A_97 : memref<56x384xf32, #tpu.memory_space<hbm>>)
    %add3A_98 = arith.constant 168 : i32
    %add3A_99 = arith.addi %mul3A_2, %add3A_98 : i32
    %multiple_of3A_100 = tpu.assume_multiple %add3A_99, 8 : i32
    %dma_start3A_101 = arith.constant 0 : i32
    %dma_start3A_102 = tpu.memref_slice %arg3[%multiple_of3A_100, %dma_start3A_101] : memref<25088x384xf32, #tpu.memory_space<hbm>> -> memref<56x384xf32, #tpu.memory_space<hbm>>
    %dma_start3A_103 = arith.constant 0 : i32
    %dma_start3A_104 = tpu.memref_slice %arg3[%multiple_of3A_100, %dma_start3A_103] : memref<25088x384xf32, #tpu.memory_space<hbm>> -> memref<56x384xf32, #tpu.memory_space<hbm>>
    tpu.enqueue_dma source(%arg7 : memref<56x384xf32, #tpu.memory_space<vmem>>) target(%dma_start3A_104 : memref<56x384xf32, #tpu.memory_space<hbm>>) target_semaphore(%arg11 : memref<!tpu.dma_semaphore, #tpu.memory_space<semaphore_mem>>)
    %add3A_105 = arith.constant 280 : i32
    %add3A_106 = arith.addi %mul3A_2, %add3A_105 : i32
    %multiple_of3A_107 = tpu.assume_multiple %add3A_106, 8 : i32
    %dma_start3A_108 = arith.constant 0 : i32
    %dma_start3A_109 = tpu.memref_slice %arg2[%multiple_of3A_107, %dma_start3A_108] : memref<25088x384xf32, #tpu.memory_space<hbm>> -> memref<56x384xf32, #tpu.memory_space<hbm>>
    %dma_start3A_110 = arith.constant 0 : i32
    %dma_start3A_111 = tpu.memref_slice %arg2[%multiple_of3A_107, %dma_start3A_110] : memref<25088x384xf32, #tpu.memory_space<hbm>> -> memref<56x384xf32, #tpu.memory_space<hbm>>
    tpu.enqueue_dma source(%dma_start3A_111 : memref<56x384xf32, #tpu.memory_space<hbm>>) target(%arg5 : memref<56x384xf32, #tpu.memory_space<vmem>>) target_semaphore(%arg9 : memref<!tpu.dma_semaphore, #tpu.memory_space<semaphore_mem>>)
    %add3A_112 = arith.constant 224 : i32
    %add3A_113 = arith.addi %mul3A_2, %add3A_112 : i32
    %multiple_of3A_114 = tpu.assume_multiple %add3A_113, 8 : i32
    %dma_wait3A_115 = arith.constant 0 : i32
    %dma_wait3A_116 = tpu.memref_slice %arg2[%multiple_of3A_114, %dma_wait3A_115] : memref<25088x384xf32, #tpu.memory_space<hbm>> -> memref<56x384xf32, #tpu.memory_space<hbm>>
    %dma_wait3A_117 = arith.constant 0 : i32
    %dma_wait3A_118 = tpu.memref_slice %arg2[%multiple_of3A_114, %dma_wait3A_117] : memref<25088x384xf32, #tpu.memory_space<hbm>> -> memref<56x384xf32, #tpu.memory_space<hbm>>
    tpu.wait_dma2 semaphore(%arg8 : memref<!tpu.dma_semaphore, #tpu.memory_space<semaphore_mem>>) src(%dma_wait3A_118 : memref<56x384xf32, #tpu.memory_space<hbm>>) dst(%arg4 : memref<56x384xf32, #tpu.memory_space<vmem>>)
    %add3A_119 = arith.constant 112 : i32
    %add3A_120 = arith.addi %mul3A_2, %add3A_119 : i32
    %multiple_of3A_121 = tpu.assume_multiple %add3A_120, 8 : i32
    %dma_wait3A_122 = arith.constant 0 : i32
    %dma_wait3A_123 = tpu.memref_slice %arg3[%multiple_of3A_121, %dma_wait3A_122] : memref<25088x384xf32, #tpu.memory_space<hbm>> -> memref<56x384xf32, #tpu.memory_space<hbm>>
    %dma_wait3A_124 = arith.constant 0 : i32
    %dma_wait3A_125 = tpu.memref_slice %arg3[%multiple_of3A_121, %dma_wait3A_124] : memref<25088x384xf32, #tpu.memory_space<hbm>> -> memref<56x384xf32, #tpu.memory_space<hbm>>
    tpu.wait_dma2 semaphore(%arg10 : memref<!tpu.dma_semaphore, #tpu.memory_space<semaphore_mem>>) src(%arg6 : memref<56x384xf32, #tpu.memory_space<vmem>>) dst(%dma_wait3A_125 : memref<56x384xf32, #tpu.memory_space<hbm>>)
    %add3A_126 = arith.constant 224 : i32
    %add3A_127 = arith.addi %mul3A_2, %add3A_126 : i32
    %multiple_of3A_128 = tpu.assume_multiple %add3A_127, 8 : i32
    %dma_start3A_129 = arith.constant 0 : i32
    %dma_start3A_130 = tpu.memref_slice %arg3[%multiple_of3A_128, %dma_start3A_129] : memref<25088x384xf32, #tpu.memory_space<hbm>> -> memref<56x384xf32, #tpu.memory_space<hbm>>
    %dma_start3A_131 = arith.constant 0 : i32
    %dma_start3A_132 = tpu.memref_slice %arg3[%multiple_of3A_128, %dma_start3A_131] : memref<25088x384xf32, #tpu.memory_space<hbm>> -> memref<56x384xf32, #tpu.memory_space<hbm>>
    tpu.enqueue_dma source(%arg6 : memref<56x384xf32, #tpu.memory_space<vmem>>) target(%dma_start3A_132 : memref<56x384xf32, #tpu.memory_space<hbm>>) target_semaphore(%arg10 : memref<!tpu.dma_semaphore, #tpu.memory_space<semaphore_mem>>)
    %add3A_133 = arith.constant 336 : i32
    %add3A_134 = arith.addi %mul3A_2, %add3A_133 : i32
    %multiple_of3A_135 = tpu.assume_multiple %add3A_134, 8 : i32
    %dma_start3A_136 = arith.constant 0 : i32
    %dma_start3A_137 = tpu.memref_slice %arg2[%multiple_of3A_135, %dma_start3A_136] : memref<25088x384xf32, #tpu.memory_space<hbm>> -> memref<56x384xf32, #tpu.memory_space<hbm>>
    %dma_start3A_138 = arith.constant 0 : i32
    %dma_start3A_139 = tpu.memref_slice %arg2[%multiple_of3A_135, %dma_start3A_138] : memref<25088x384xf32, #tpu.memory_space<hbm>> -> memref<56x384xf32, #tpu.memory_space<hbm>>
    tpu.enqueue_dma source(%dma_start3A_139 : memref<56x384xf32, #tpu.memory_space<hbm>>) target(%arg4 : memref<56x384xf32, #tpu.memory_space<vmem>>) target_semaphore(%arg8 : memref<!tpu.dma_semaphore, #tpu.memory_space<semaphore_mem>>)
    %add3A_140 = arith.constant 280 : i32
    %add3A_141 = arith.addi %mul3A_2, %add3A_140 : i32
    %multiple_of3A_142 = tpu.assume_multiple %add3A_141, 8 : i32
    %dma_wait3A_143 = arith.constant 0 : i32
    %dma_wait3A_144 = tpu.memref_slice %arg2[%multiple_of3A_142, %dma_wait3A_143] : memref<25088x384xf32, #tpu.memory_space<hbm>> -> memref<56x384xf32, #tpu.memory_space<hbm>>
    %dma_wait3A_145 = arith.constant 0 : i32
    %dma_wait3A_146 = tpu.memref_slice %arg2[%multiple_of3A_142, %dma_wait3A_145] : memref<25088x384xf32, #tpu.memory_space<hbm>> -> memref<56x384xf32, #tpu.memory_space<hbm>>
    tpu.wait_dma2 semaphore(%arg9 : memref<!tpu.dma_semaphore, #tpu.memory_space<semaphore_mem>>) src(%dma_wait3A_146 : memref<56x384xf32, #tpu.memory_space<hbm>>) dst(%arg5 : memref<56x384xf32, #tpu.memory_space<vmem>>)
    %add3A_147 = arith.constant 168 : i32
    %add3A_148 = arith.addi %mul3A_2, %add3A_147 : i32
    %multiple_of3A_149 = tpu.assume_multiple %add3A_148, 8 : i32
    %dma_wait3A_150 = arith.constant 0 : i32
    %dma_wait3A_151 = tpu.memref_slice %arg3[%multiple_of3A_149, %dma_wait3A_150] : memref<25088x384xf32, #tpu.memory_space<hbm>> -> memref<56x384xf32, #tpu.memory_space<hbm>>
    %dma_wait3A_152 = arith.constant 0 : i32
    %dma_wait3A_153 = tpu.memref_slice %arg3[%multiple_of3A_149, %dma_wait3A_152] : memref<25088x384xf32, #tpu.memory_space<hbm>> -> memref<56x384xf32, #tpu.memory_space<hbm>>
    tpu.wait_dma2 semaphore(%arg11 : memref<!tpu.dma_semaphore, #tpu.memory_space<semaphore_mem>>) src(%arg7 : memref<56x384xf32, #tpu.memory_space<vmem>>) dst(%dma_wait3A_153 : memref<56x384xf32, #tpu.memory_space<hbm>>)
    %add3A_154 = arith.constant 280 : i32
    %add3A_155 = arith.addi %mul3A_2, %add3A_154 : i32
    %multiple_of3A_156 = tpu.assume_multiple %add3A_155, 8 : i32
    %dma_start3A_157 = arith.constant 0 : i32
    %dma_start3A_158 = tpu.memref_slice %arg3[%multiple_of3A_156, %dma_start3A_157] : memref<25088x384xf32, #tpu.memory_space<hbm>> -> memref<56x384xf32, #tpu.memory_space<hbm>>
    %dma_start3A_159 = arith.constant 0 : i32
    %dma_start3A_160 = tpu.memref_slice %arg3[%multiple_of3A_156, %dma_start3A_159] : memref<25088x384xf32, #tpu.memory_space<hbm>> -> memref<56x384xf32, #tpu.memory_space<hbm>>
    tpu.enqueue_dma source(%arg7 : memref<56x384xf32, #tpu.memory_space<vmem>>) target(%dma_start3A_160 : memref<56x384xf32, #tpu.memory_space<hbm>>) target_semaphore(%arg11 : memref<!tpu.dma_semaphore, #tpu.memory_space<semaphore_mem>>)
    %add3A_161 = arith.constant 392 : i32
    %add3A_162 = arith.addi %mul3A_2, %add3A_161 : i32
    %multiple_of3A_163 = tpu.assume_multiple %add3A_162, 8 : i32
    %dma_start3A_164 = arith.constant 0 : i32
    %dma_start3A_165 = tpu.memref_slice %arg2[%multiple_of3A_163, %dma_start3A_164] : memref<25088x384xf32, #tpu.memory_space<hbm>> -> memref<56x384xf32, #tpu.memory_space<hbm>>
    %dma_start3A_166 = arith.constant 0 : i32
    %dma_start3A_167 = tpu.memref_slice %arg2[%multiple_of3A_163, %dma_start3A_166] : memref<25088x384xf32, #tpu.memory_space<hbm>> -> memref<56x384xf32, #tpu.memory_space<hbm>>
    tpu.enqueue_dma source(%dma_start3A_167 : memref<56x384xf32, #tpu.memory_space<hbm>>) target(%arg5 : memref<56x384xf32, #tpu.memory_space<vmem>>) target_semaphore(%arg9 : memref<!tpu.dma_semaphore, #tpu.memory_space<semaphore_mem>>)
    %add3A_168 = arith.constant 336 : i32
    %add3A_169 = arith.addi %mul3A_2, %add3A_168 : i32
    %multiple_of3A_170 = tpu.assume_multiple %add3A_169, 8 : i32
    %dma_wait3A_171 = arith.constant 0 : i32
    %dma_wait3A_172 = tpu.memref_slice %arg2[%multiple_of3A_170, %dma_wait3A_171] : memref<25088x384xf32, #tpu.memory_space<hbm>> -> memref<56x384xf32, #tpu.memory_space<hbm>>
    %dma_wait3A_173 = arith.constant 0 : i32
    %dma_wait3A_174 = tpu.memref_slice %arg2[%multiple_of3A_170, %dma_wait3A_173] : memref<25088x384xf32, #tpu.memory_space<hbm>> -> memref<56x384xf32, #tpu.memory_space<hbm>>
    tpu.wait_dma2 semaphore(%arg8 : memref<!tpu.dma_semaphore, #tpu.memory_space<semaphore_mem>>) src(%dma_wait3A_174 : memref<56x384xf32, #tpu.memory_space<hbm>>) dst(%arg4 : memref<56x384xf32, #tpu.memory_space<vmem>>)
    %add3A_175 = arith.constant 224 : i32
    %add3A_176 = arith.addi %mul3A_2, %add3A_175 : i32
    %multiple_of3A_177 = tpu.assume_multiple %add3A_176, 8 : i32
    %dma_wait3A_178 = arith.constant 0 : i32
    %dma_wait3A_179 = tpu.memref_slice %arg3[%multiple_of3A_177, %dma_wait3A_178] : memref<25088x384xf32, #tpu.memory_space<hbm>> -> memref<56x384xf32, #tpu.memory_space<hbm>>
    %dma_wait3A_180 = arith.constant 0 : i32
    %dma_wait3A_181 = tpu.memref_slice %arg3[%multiple_of3A_177, %dma_wait3A_180] : memref<25088x384xf32, #tpu.memory_space<hbm>> -> memref<56x384xf32, #tpu.memory_space<hbm>>
    tpu.wait_dma2 semaphore(%arg10 : memref<!tpu.dma_semaphore, #tpu.memory_space<semaphore_mem>>) src(%arg6 : memref<56x384xf32, #tpu.memory_space<vmem>>) dst(%dma_wait3A_181 : memref<56x384xf32, #tpu.memory_space<hbm>>)
    %add3A_182 = arith.constant 336 : i32
    %add3A_183 = arith.addi %mul3A_2, %add3A_182 : i32
    %multiple_of3A_184 = tpu.assume_multiple %add3A_183, 8 : i32
    %dma_start3A_185 = arith.constant 0 : i32
    %dma_start3A_186 = tpu.memref_slice %arg3[%multiple_of3A_184, %dma_start3A_185] : memref<25088x384xf32, #tpu.memory_space<hbm>> -> memref<56x384xf32, #tpu.memory_space<hbm>>
    %dma_start3A_187 = arith.constant 0 : i32
    %dma_start3A_188 = tpu.memref_slice %arg3[%multiple_of3A_184, %dma_start3A_187] : memref<25088x384xf32, #tpu.memory_space<hbm>> -> memref<56x384xf32, #tpu.memory_space<hbm>>
    tpu.enqueue_dma source(%arg6 : memref<56x384xf32, #tpu.memory_space<vmem>>) target(%dma_start3A_188 : memref<56x384xf32, #tpu.memory_space<hbm>>) target_semaphore(%arg10 : memref<!tpu.dma_semaphore, #tpu.memory_space<semaphore_mem>>)
    %add3A_189 = arith.constant 448 : i32
    %add3A_190 = arith.addi %mul3A_2, %add3A_189 : i32
    %multiple_of3A_191 = tpu.assume_multiple %add3A_190, 8 : i32
    %dma_start3A_192 = arith.constant 0 : i32
    %dma_start3A_193 = tpu.memref_slice %arg2[%multiple_of3A_191, %dma_start3A_192] : memref<25088x384xf32, #tpu.memory_space<hbm>> -> memref<56x384xf32, #tpu.memory_space<hbm>>
    %dma_start3A_194 = arith.constant 0 : i32
    %dma_start3A_195 = tpu.memref_slice %arg2[%multiple_of3A_191, %dma_start3A_194] : memref<25088x384xf32, #tpu.memory_space<hbm>> -> memref<56x384xf32, #tpu.memory_space<hbm>>
    tpu.enqueue_dma source(%dma_start3A_195 : memref<56x384xf32, #tpu.memory_space<hbm>>) target(%arg4 : memref<56x384xf32, #tpu.memory_space<vmem>>) target_semaphore(%arg8 : memref<!tpu.dma_semaphore, #tpu.memory_space<semaphore_mem>>)
    %add3A_196 = arith.constant 392 : i32
    %add3A_197 = arith.addi %mul3A_2, %add3A_196 : i32
    %multiple_of3A_198 = tpu.assume_multiple %add3A_197, 8 : i32
    %dma_wait3A_199 = arith.constant 0 : i32
    %dma_wait3A_200 = tpu.memref_slice %arg2[%multiple_of3A_198, %dma_wait3A_199] : memref<25088x384xf32, #tpu.memory_space<hbm>> -> memref<56x384xf32, #tpu.memory_space<hbm>>
    %dma_wait3A_201 = arith.constant 0 : i32
    %dma_wait3A_202 = tpu.memref_slice %arg2[%multiple_of3A_198, %dma_wait3A_201] : memref<25088x384xf32, #tpu.memory_space<hbm>> -> memref<56x384xf32, #tpu.memory_space<hbm>>
    tpu.wait_dma2 semaphore(%arg9 : memref<!tpu.dma_semaphore, #tpu.memory_space<semaphore_mem>>) src(%dma_wait3A_202 : memref<56x384xf32, #tpu.memory_space<hbm>>) dst(%arg5 : memref<56x384xf32, #tpu.memory_space<vmem>>)
    %add3A_203 = arith.constant 280 : i32
    %add3A_204 = arith.addi %mul3A_2, %add3A_203 : i32
    %multiple_of3A_205 = tpu.assume_multiple %add3A_204, 8 : i32
    %dma_wait3A_206 = arith.constant 0 : i32
    %dma_wait3A_207 = tpu.memref_slice %arg3[%multiple_of3A_205, %dma_wait3A_206] : memref<25088x384xf32, #tpu.memory_space<hbm>> -> memref<56x384xf32, #tpu.memory_space<hbm>>
    %dma_wait3A_208 = arith.constant 0 : i32
    %dma_wait3A_209 = tpu.memref_slice %arg3[%multiple_of3A_205, %dma_wait3A_208] : memref<25088x384xf32, #tpu.memory_space<hbm>> -> memref<56x384xf32, #tpu.memory_space<hbm>>
    tpu.wait_dma2 semaphore(%arg11 : memref<!tpu.dma_semaphore, #tpu.memory_space<semaphore_mem>>) src(%arg7 : memref<56x384xf32, #tpu.memory_space<vmem>>) dst(%dma_wait3A_209 : memref<56x384xf32, #tpu.memory_space<hbm>>)
    %add3A_210 = arith.constant 392 : i32
    %add3A_211 = arith.addi %mul3A_2, %add3A_210 : i32
    %multiple_of3A_212 = tpu.assume_multiple %add3A_211, 8 : i32
    %dma_start3A_213 = arith.constant 0 : i32
    %dma_start3A_214 = tpu.memref_slice %arg3[%multiple_of3A_212, %dma_start3A_213] : memref<25088x384xf32, #tpu.memory_space<hbm>> -> memref<56x384xf32, #tpu.memory_space<hbm>>
    %dma_start3A_215 = arith.constant 0 : i32
    %dma_start3A_216 = tpu.memref_slice %arg3[%multiple_of3A_212, %dma_start3A_215] : memref<25088x384xf32, #tpu.memory_space<hbm>> -> memref<56x384xf32, #tpu.memory_space<hbm>>
    tpu.enqueue_dma source(%arg7 : memref<56x384xf32, #tpu.memory_space<vmem>>) target(%dma_start3A_216 : memref<56x384xf32, #tpu.memory_space<hbm>>) target_semaphore(%arg11 : memref<!tpu.dma_semaphore, #tpu.memory_space<semaphore_mem>>)
    %add3A_217 = arith.constant 504 : i32
    %add3A_218 = arith.addi %mul3A_2, %add3A_217 : i32
    %multiple_of3A_219 = tpu.assume_multiple %add3A_218, 8 : i32
    %dma_start3A_220 = arith.constant 0 : i32
    %dma_start3A_221 = tpu.memref_slice %arg2[%multiple_of3A_219, %dma_start3A_220] : memref<25088x384xf32, #tpu.memory_space<hbm>> -> memref<56x384xf32, #tpu.memory_space<hbm>>
    %dma_start3A_222 = arith.constant 0 : i32
    %dma_start3A_223 = tpu.memref_slice %arg2[%multiple_of3A_219, %dma_start3A_222] : memref<25088x384xf32, #tpu.memory_space<hbm>> -> memref<56x384xf32, #tpu.memory_space<hbm>>
    tpu.enqueue_dma source(%dma_start3A_223 : memref<56x384xf32, #tpu.memory_space<hbm>>) target(%arg5 : memref<56x384xf32, #tpu.memory_space<vmem>>) target_semaphore(%arg9 : memref<!tpu.dma_semaphore, #tpu.memory_space<semaphore_mem>>)
    %add3A_224 = arith.constant 448 : i32
    %add3A_225 = arith.addi %mul3A_2, %add3A_224 : i32
    %multiple_of3A_226 = tpu.assume_multiple %add3A_225, 8 : i32
    %dma_wait3A_227 = arith.constant 0 : i32
    %dma_wait3A_228 = tpu.memref_slice %arg2[%multiple_of3A_226, %dma_wait3A_227] : memref<25088x384xf32, #tpu.memory_space<hbm>> -> memref<56x384xf32, #tpu.memory_space<hbm>>
    %dma_wait3A_229 = arith.constant 0 : i32
    %dma_wait3A_230 = tpu.memref_slice %arg2[%multiple_of3A_226, %dma_wait3A_229] : memref<25088x384xf32, #tpu.memory_space<hbm>> -> memref<56x384xf32, #tpu.memory_space<hbm>>
    tpu.wait_dma2 semaphore(%arg8 : memref<!tpu.dma_semaphore, #tpu.memory_space<semaphore_mem>>) src(%dma_wait3A_230 : memref<56x384xf32, #tpu.memory_space<hbm>>) dst(%arg4 : memref<56x384xf32, #tpu.memory_space<vmem>>)
    %add3A_231 = arith.constant 336 : i32
    %add3A_232 = arith.addi %mul3A_2, %add3A_231 : i32
    %multiple_of3A_233 = tpu.assume_multiple %add3A_232, 8 : i32
    %dma_wait3A_234 = arith.constant 0 : i32
    %dma_wait3A_235 = tpu.memref_slice %arg3[%multiple_of3A_233, %dma_wait3A_234] : memref<25088x384xf32, #tpu.memory_space<hbm>> -> memref<56x384xf32, #tpu.memory_space<hbm>>
    %dma_wait3A_236 = arith.constant 0 : i32
    %dma_wait3A_237 = tpu.memref_slice %arg3[%multiple_of3A_233, %dma_wait3A_236] : memref<25088x384xf32, #tpu.memory_space<hbm>> -> memref<56x384xf32, #tpu.memory_space<hbm>>
    tpu.wait_dma2 semaphore(%arg10 : memref<!tpu.dma_semaphore, #tpu.memory_space<semaphore_mem>>) src(%arg6 : memref<56x384xf32, #tpu.memory_space<vmem>>) dst(%dma_wait3A_237 : memref<56x384xf32, #tpu.memory_space<hbm>>)
    %add3A_238 = arith.constant 448 : i32
    %add3A_239 = arith.addi %mul3A_2, %add3A_238 : i32
    %multiple_of3A_240 = tpu.assume_multiple %add3A_239, 8 : i32
    %dma_start3A_241 = arith.constant 0 : i32
    %dma_start3A_242 = tpu.memref_slice %arg3[%multiple_of3A_240, %dma_start3A_241] : memref<25088x384xf32, #tpu.memory_space<hbm>> -> memref<56x384xf32, #tpu.memory_space<hbm>>
    %dma_start3A_243 = arith.constant 0 : i32
    %dma_start3A_244 = tpu.memref_slice %arg3[%multiple_of3A_240, %dma_start3A_243] : memref<25088x384xf32, #tpu.memory_space<hbm>> -> memref<56x384xf32, #tpu.memory_space<hbm>>
    tpu.enqueue_dma source(%arg6 : memref<56x384xf32, #tpu.memory_space<vmem>>) target(%dma_start3A_244 : memref<56x384xf32, #tpu.memory_space<hbm>>) target_semaphore(%arg10 : memref<!tpu.dma_semaphore, #tpu.memory_space<semaphore_mem>>)
    %add3A_245 = arith.constant 560 : i32
    %add3A_246 = arith.addi %mul3A_2, %add3A_245 : i32
    %multiple_of3A_247 = tpu.assume_multiple %add3A_246, 8 : i32
    %dma_start3A_248 = arith.constant 0 : i32
    %dma_start3A_249 = tpu.memref_slice %arg2[%multiple_of3A_247, %dma_start3A_248] : memref<25088x384xf32, #tpu.memory_space<hbm>> -> memref<56x384xf32, #tpu.memory_space<hbm>>
    %dma_start3A_250 = arith.constant 0 : i32
    %dma_start3A_251 = tpu.memref_slice %arg2[%multiple_of3A_247, %dma_start3A_250] : memref<25088x384xf32, #tpu.memory_space<hbm>> -> memref<56x384xf32, #tpu.memory_space<hbm>>
    tpu.enqueue_dma source(%dma_start3A_251 : memref<56x384xf32, #tpu.memory_space<hbm>>) target(%arg4 : memref<56x384xf32, #tpu.memory_space<vmem>>) target_semaphore(%arg8 : memref<!tpu.dma_semaphore, #tpu.memory_space<semaphore_mem>>)
    %add3A_252 = arith.constant 504 : i32
    %add3A_253 = arith.addi %mul3A_2, %add3A_252 : i32
    %multiple_of3A_254 = tpu.assume_multiple %add3A_253, 8 : i32
    %dma_wait3A_255 = arith.constant 0 : i32
    %dma_wait3A_256 = tpu.memref_slice %arg2[%multiple_of3A_254, %dma_wait3A_255] : memref<25088x384xf32, #tpu.memory_space<hbm>> -> memref<56x384xf32, #tpu.memory_space<hbm>>
    %dma_wait3A_257 = arith.constant 0 : i32
    %dma_wait3A_258 = tpu.memref_slice %arg2[%multiple_of3A_254, %dma_wait3A_257] : memref<25088x384xf32, #tpu.memory_space<hbm>> -> memref<56x384xf32, #tpu.memory_space<hbm>>
    tpu.wait_dma2 semaphore(%arg9 : memref<!tpu.dma_semaphore, #tpu.memory_space<semaphore_mem>>) src(%dma_wait3A_258 : memref<56x384xf32, #tpu.memory_space<hbm>>) dst(%arg5 : memref<56x384xf32, #tpu.memory_space<vmem>>)
    %add3A_259 = arith.constant 392 : i32
    %add3A_260 = arith.addi %mul3A_2, %add3A_259 : i32
    %multiple_of3A_261 = tpu.assume_multiple %add3A_260, 8 : i32
    %dma_wait3A_262 = arith.constant 0 : i32
    %dma_wait3A_263 = tpu.memref_slice %arg3[%multiple_of3A_261, %dma_wait3A_262] : memref<25088x384xf32, #tpu.memory_space<hbm>> -> memref<56x384xf32, #tpu.memory_space<hbm>>
    %dma_wait3A_264 = arith.constant 0 : i32
    %dma_wait3A_265 = tpu.memref_slice %arg3[%multiple_of3A_261, %dma_wait3A_264] : memref<25088x384xf32, #tpu.memory_space<hbm>> -> memref<56x384xf32, #tpu.memory_space<hbm>>
    tpu.wait_dma2 semaphore(%arg11 : memref<!tpu.dma_semaphore, #tpu.memory_space<semaphore_mem>>) src(%arg7 : memref<56x384xf32, #tpu.memory_space<vmem>>) dst(%dma_wait3A_265 : memref<56x384xf32, #tpu.memory_space<hbm>>)
    %add3A_266 = arith.constant 504 : i32
    %add3A_267 = arith.addi %mul3A_2, %add3A_266 : i32
    %multiple_of3A_268 = tpu.assume_multiple %add3A_267, 8 : i32
    %dma_start3A_269 = arith.constant 0 : i32
    %dma_start3A_270 = tpu.memref_slice %arg3[%multiple_of3A_268, %dma_start3A_269] : memref<25088x384xf32, #tpu.memory_space<hbm>> -> memref<56x384xf32, #tpu.memory_space<hbm>>
    %dma_start3A_271 = arith.constant 0 : i32
    %dma_start3A_272 = tpu.memref_slice %arg3[%multiple_of3A_268, %dma_start3A_271] : memref<25088x384xf32, #tpu.memory_space<hbm>> -> memref<56x384xf32, #tpu.memory_space<hbm>>
    tpu.enqueue_dma source(%arg7 : memref<56x384xf32, #tpu.memory_space<vmem>>) target(%dma_start3A_272 : memref<56x384xf32, #tpu.memory_space<hbm>>) target_semaphore(%arg11 : memref<!tpu.dma_semaphore, #tpu.memory_space<semaphore_mem>>)
    %add3A_273 = arith.constant 616 : i32
    %add3A_274 = arith.addi %mul3A_2, %add3A_273 : i32
    %multiple_of3A_275 = tpu.assume_multiple %add3A_274, 8 : i32
    %dma_start3A_276 = arith.constant 0 : i32
    %dma_start3A_277 = tpu.memref_slice %arg2[%multiple_of3A_275, %dma_start3A_276] : memref<25088x384xf32, #tpu.memory_space<hbm>> -> memref<56x384xf32, #tpu.memory_space<hbm>>
    %dma_start3A_278 = arith.constant 0 : i32
    %dma_start3A_279 = tpu.memref_slice %arg2[%multiple_of3A_275, %dma_start3A_278] : memref<25088x384xf32, #tpu.memory_space<hbm>> -> memref<56x384xf32, #tpu.memory_space<hbm>>
    tpu.enqueue_dma source(%dma_start3A_279 : memref<56x384xf32, #tpu.memory_space<hbm>>) target(%arg5 : memref<56x384xf32, #tpu.memory_space<vmem>>) target_semaphore(%arg9 : memref<!tpu.dma_semaphore, #tpu.memory_space<semaphore_mem>>)
    %add3A_280 = arith.constant 560 : i32
    %add3A_281 = arith.addi %mul3A_2, %add3A_280 : i32
    %multiple_of3A_282 = tpu.assume_multiple %add3A_281, 8 : i32
    %dma_wait3A_283 = arith.constant 0 : i32
    %dma_wait3A_284 = tpu.memref_slice %arg2[%multiple_of3A_282, %dma_wait3A_283] : memref<25088x384xf32, #tpu.memory_space<hbm>> -> memref<56x384xf32, #tpu.memory_space<hbm>>
    %dma_wait3A_285 = arith.constant 0 : i32
    %dma_wait3A_286 = tpu.memref_slice %arg2[%multiple_of3A_282, %dma_wait3A_285] : memref<25088x384xf32, #tpu.memory_space<hbm>> -> memref<56x384xf32, #tpu.memory_space<hbm>>
    tpu.wait_dma2 semaphore(%arg8 : memref<!tpu.dma_semaphore, #tpu.memory_space<semaphore_mem>>) src(%dma_wait3A_286 : memref<56x384xf32, #tpu.memory_space<hbm>>) dst(%arg4 : memref<56x384xf32, #tpu.memory_space<vmem>>)
    %add3A_287 = arith.constant 448 : i32
    %add3A_288 = arith.addi %mul3A_2, %add3A_287 : i32
    %multiple_of3A_289 = tpu.assume_multiple %add3A_288, 8 : i32
    %dma_wait3A_290 = arith.constant 0 : i32
    %dma_wait3A_291 = tpu.memref_slice %arg3[%multiple_of3A_289, %dma_wait3A_290] : memref<25088x384xf32, #tpu.memory_space<hbm>> -> memref<56x384xf32, #tpu.memory_space<hbm>>
    %dma_wait3A_292 = arith.constant 0 : i32
    %dma_wait3A_293 = tpu.memref_slice %arg3[%multiple_of3A_289, %dma_wait3A_292] : memref<25088x384xf32, #tpu.memory_space<hbm>> -> memref<56x384xf32, #tpu.memory_space<hbm>>
    tpu.wait_dma2 semaphore(%arg10 : memref<!tpu.dma_semaphore, #tpu.memory_space<semaphore_mem>>) src(%arg6 : memref<56x384xf32, #tpu.memory_space<vmem>>) dst(%dma_wait3A_293 : memref<56x384xf32, #tpu.memory_space<hbm>>)
    %add3A_294 = arith.constant 560 : i32
    %add3A_295 = arith.addi %mul3A_2, %add3A_294 : i32
    %multiple_of3A_296 = tpu.assume_multiple %add3A_295, 8 : i32
    %dma_start3A_297 = arith.constant 0 : i32
    %dma_start3A_298 = tpu.memref_slice %arg3[%multiple_of3A_296, %dma_start3A_297] : memref<25088x384xf32, #tpu.memory_space<hbm>> -> memref<56x384xf32, #tpu.memory_space<hbm>>
    %dma_start3A_299 = arith.constant 0 : i32
    %dma_start3A_300 = tpu.memref_slice %arg3[%multiple_of3A_296, %dma_start3A_299] : memref<25088x384xf32, #tpu.memory_space<hbm>> -> memref<56x384xf32, #tpu.memory_space<hbm>>
    tpu.enqueue_dma source(%arg6 : memref<56x384xf32, #tpu.memory_space<vmem>>) target(%dma_start3A_300 : memref<56x384xf32, #tpu.memory_space<hbm>>) target_semaphore(%arg10 : memref<!tpu.dma_semaphore, #tpu.memory_space<semaphore_mem>>)
    %add3A_301 = arith.constant 672 : i32
    %add3A_302 = arith.addi %mul3A_2, %add3A_301 : i32
    %multiple_of3A_303 = tpu.assume_multiple %add3A_302, 8 : i32
    %dma_start3A_304 = arith.constant 0 : i32
    %dma_start3A_305 = tpu.memref_slice %arg2[%multiple_of3A_303, %dma_start3A_304] : memref<25088x384xf32, #tpu.memory_space<hbm>> -> memref<56x384xf32, #tpu.memory_space<hbm>>
    %dma_start3A_306 = arith.constant 0 : i32
    %dma_start3A_307 = tpu.memref_slice %arg2[%multiple_of3A_303, %dma_start3A_306] : memref<25088x384xf32, #tpu.memory_space<hbm>> -> memref<56x384xf32, #tpu.memory_space<hbm>>
    tpu.enqueue_dma source(%dma_start3A_307 : memref<56x384xf32, #tpu.memory_space<hbm>>) target(%arg4 : memref<56x384xf32, #tpu.memory_space<vmem>>) target_semaphore(%arg8 : memref<!tpu.dma_semaphore, #tpu.memory_space<semaphore_mem>>)
    %add3A_308 = arith.constant 616 : i32
    %add3A_309 = arith.addi %mul3A_2, %add3A_308 : i32
    %multiple_of3A_310 = tpu.assume_multiple %add3A_309, 8 : i32
    %dma_wait3A_311 = arith.constant 0 : i32
    %dma_wait3A_312 = tpu.memref_slice %arg2[%multiple_of3A_310, %dma_wait3A_311] : memref<25088x384xf32, #tpu.memory_space<hbm>> -> memref<56x384xf32, #tpu.memory_space<hbm>>
    %dma_wait3A_313 = arith.constant 0 : i32
    %dma_wait3A_314 = tpu.memref_slice %arg2[%multiple_of3A_310, %dma_wait3A_313] : memref<25088x384xf32, #tpu.memory_space<hbm>> -> memref<56x384xf32, #tpu.memory_space<hbm>>
    tpu.wait_dma2 semaphore(%arg9 : memref<!tpu.dma_semaphore, #tpu.memory_space<semaphore_mem>>) src(%dma_wait3A_314 : memref<56x384xf32, #tpu.memory_space<hbm>>) dst(%arg5 : memref<56x384xf32, #tpu.memory_space<vmem>>)
    %add3A_315 = arith.constant 504 : i32
    %add3A_316 = arith.addi %mul3A_2, %add3A_315 : i32
    %multiple_of3A_317 = tpu.assume_multiple %add3A_316, 8 : i32
    %dma_wait3A_318 = arith.constant 0 : i32
    %dma_wait3A_319 = tpu.memref_slice %arg3[%multiple_of3A_317, %dma_wait3A_318] : memref<25088x384xf32, #tpu.memory_space<hbm>> -> memref<56x384xf32, #tpu.memory_space<hbm>>
    %dma_wait3A_320 = arith.constant 0 : i32
    %dma_wait3A_321 = tpu.memref_slice %arg3[%multiple_of3A_317, %dma_wait3A_320] : memref<25088x384xf32, #tpu.memory_space<hbm>> -> memref<56x384xf32, #tpu.memory_space<hbm>>
    tpu.wait_dma2 semaphore(%arg11 : memref<!tpu.dma_semaphore, #tpu.memory_space<semaphore_mem>>) src(%arg7 : memref<56x384xf32, #tpu.memory_space<vmem>>) dst(%dma_wait3A_321 : memref<56x384xf32, #tpu.memory_space<hbm>>)
    %add3A_322 = arith.constant 616 : i32
    %add3A_323 = arith.addi %mul3A_2, %add3A_322 : i32
    %multiple_of3A_324 = tpu.assume_multiple %add3A_323, 8 : i32
    %dma_start3A_325 = arith.constant 0 : i32
    %dma_start3A_326 = tpu.memref_slice %arg3[%multiple_of3A_324, %dma_start3A_325] : memref<25088x384xf32, #tpu.memory_space<hbm>> -> memref<56x384xf32, #tpu.memory_space<hbm>>
    %dma_start3A_327 = arith.constant 0 : i32
    %dma_start3A_328 = tpu.memref_slice %arg3[%multiple_of3A_324, %dma_start3A_327] : memref<25088x384xf32, #tpu.memory_space<hbm>> -> memref<56x384xf32, #tpu.memory_space<hbm>>
    tpu.enqueue_dma source(%arg7 : memref<56x384xf32, #tpu.memory_space<vmem>>) target(%dma_start3A_328 : memref<56x384xf32, #tpu.memory_space<hbm>>) target_semaphore(%arg11 : memref<!tpu.dma_semaphore, #tpu.memory_space<semaphore_mem>>)
    %add3A_329 = arith.constant 728 : i32
    %add3A_330 = arith.addi %mul3A_2, %add3A_329 : i32
    %multiple_of3A_331 = tpu.assume_multiple %add3A_330, 8 : i32
    %dma_start3A_332 = arith.constant 0 : i32
    %dma_start3A_333 = tpu.memref_slice %arg2[%multiple_of3A_331, %dma_start3A_332] : memref<25088x384xf32, #tpu.memory_space<hbm>> -> memref<56x384xf32, #tpu.memory_space<hbm>>
    %dma_start3A_334 = arith.constant 0 : i32
    %dma_start3A_335 = tpu.memref_slice %arg2[%multiple_of3A_331, %dma_start3A_334] : memref<25088x384xf32, #tpu.memory_space<hbm>> -> memref<56x384xf32, #tpu.memory_space<hbm>>
    tpu.enqueue_dma source(%dma_start3A_335 : memref<56x384xf32, #tpu.memory_space<hbm>>) target(%arg5 : memref<56x384xf32, #tpu.memory_space<vmem>>) target_semaphore(%arg9 : memref<!tpu.dma_semaphore, #tpu.memory_space<semaphore_mem>>)
    %add3A_336 = arith.constant 672 : i32
    %add3A_337 = arith.addi %mul3A_2, %add3A_336 : i32
    %multiple_of3A_338 = tpu.assume_multiple %add3A_337, 8 : i32
    %dma_wait3A_339 = arith.constant 0 : i32
    %dma_wait3A_340 = tpu.memref_slice %arg2[%multiple_of3A_338, %dma_wait3A_339] : memref<25088x384xf32, #tpu.memory_space<hbm>> -> memref<56x384xf32, #tpu.memory_space<hbm>>
    %dma_wait3A_341 = arith.constant 0 : i32
    %dma_wait3A_342 = tpu.memref_slice %arg2[%multiple_of3A_338, %dma_wait3A_341] : memref<25088x384xf32, #tpu.memory_space<hbm>> -> memref<56x384xf32, #tpu.memory_space<hbm>>
    tpu.wait_dma2 semaphore(%arg8 : memref<!tpu.dma_semaphore, #tpu.memory_space<semaphore_mem>>) src(%dma_wait3A_342 : memref<56x384xf32, #tpu.memory_space<hbm>>) dst(%arg4 : memref<56x384xf32, #tpu.memory_space<vmem>>)
    %add3A_343 = arith.constant 560 : i32
    %add3A_344 = arith.addi %mul3A_2, %add3A_343 : i32
    %multiple_of3A_345 = tpu.assume_multiple %add3A_344, 8 : i32
    %dma_wait3A_346 = arith.constant 0 : i32
    %dma_wait3A_347 = tpu.memref_slice %arg3[%multiple_of3A_345, %dma_wait3A_346] : memref<25088x384xf32, #tpu.memory_space<hbm>> -> memref<56x384xf32, #tpu.memory_space<hbm>>
    %dma_wait3A_348 = arith.constant 0 : i32
    %dma_wait3A_349 = tpu.memref_slice %arg3[%multiple_of3A_345, %dma_wait3A_348] : memref<25088x384xf32, #tpu.memory_space<hbm>> -> memref<56x384xf32, #tpu.memory_space<hbm>>
    tpu.wait_dma2 semaphore(%arg10 : memref<!tpu.dma_semaphore, #tpu.memory_space<semaphore_mem>>) src(%arg6 : memref<56x384xf32, #tpu.memory_space<vmem>>) dst(%dma_wait3A_349 : memref<56x384xf32, #tpu.memory_space<hbm>>)
    %add3A_350 = arith.constant 672 : i32
    %add3A_351 = arith.addi %mul3A_2, %add3A_350 : i32
    %multiple_of3A_352 = tpu.assume_multiple %add3A_351, 8 : i32
    %dma_start3A_353 = arith.constant 0 : i32
    %dma_start3A_354 = tpu.memref_slice %arg3[%multiple_of3A_352, %dma_start3A_353] : memref<25088x384xf32, #tpu.memory_space<hbm>> -> memref<56x384xf32, #tpu.memory_space<hbm>>
    %dma_start3A_355 = arith.constant 0 : i32
    %dma_start3A_356 = tpu.memref_slice %arg3[%multiple_of3A_352, %dma_start3A_355] : memref<25088x384xf32, #tpu.memory_space<hbm>> -> memref<56x384xf32, #tpu.memory_space<hbm>>
    tpu.enqueue_dma source(%arg6 : memref<56x384xf32, #tpu.memory_space<vmem>>) target(%dma_start3A_356 : memref<56x384xf32, #tpu.memory_space<hbm>>) target_semaphore(%arg10 : memref<!tpu.dma_semaphore, #tpu.memory_space<semaphore_mem>>)
    %add3A_357 = arith.constant 728 : i32
    %add3A_358 = arith.addi %mul3A_2, %add3A_357 : i32
    %multiple_of3A_359 = tpu.assume_multiple %add3A_358, 8 : i32
    %dma_wait3A_360 = arith.constant 0 : i32
    %dma_wait3A_361 = tpu.memref_slice %arg2[%multiple_of3A_359, %dma_wait3A_360] : memref<25088x384xf32, #tpu.memory_space<hbm>> -> memref<56x384xf32, #tpu.memory_space<hbm>>
    %dma_wait3A_362 = arith.constant 0 : i32
    %dma_wait3A_363 = tpu.memref_slice %arg2[%multiple_of3A_359, %dma_wait3A_362] : memref<25088x384xf32, #tpu.memory_space<hbm>> -> memref<56x384xf32, #tpu.memory_space<hbm>>
    tpu.wait_dma2 semaphore(%arg9 : memref<!tpu.dma_semaphore, #tpu.memory_space<semaphore_mem>>) src(%dma_wait3A_363 : memref<56x384xf32, #tpu.memory_space<hbm>>) dst(%arg5 : memref<56x384xf32, #tpu.memory_space<vmem>>)
    %add3A_364 = arith.constant 616 : i32
    %add3A_365 = arith.addi %mul3A_2, %add3A_364 : i32
    %multiple_of3A_366 = tpu.assume_multiple %add3A_365, 8 : i32
    %dma_wait3A_367 = arith.constant 0 : i32
    %dma_wait3A_368 = tpu.memref_slice %arg3[%multiple_of3A_366, %dma_wait3A_367] : memref<25088x384xf32, #tpu.memory_space<hbm>> -> memref<56x384xf32, #tpu.memory_space<hbm>>
    %dma_wait3A_369 = arith.constant 0 : i32
    %dma_wait3A_370 = tpu.memref_slice %arg3[%multiple_of3A_366, %dma_wait3A_369] : memref<25088x384xf32, #tpu.memory_space<hbm>> -> memref<56x384xf32, #tpu.memory_space<hbm>>
    tpu.wait_dma2 semaphore(%arg11 : memref<!tpu.dma_semaphore, #tpu.memory_space<semaphore_mem>>) src(%arg7 : memref<56x384xf32, #tpu.memory_space<vmem>>) dst(%dma_wait3A_370 : memref<56x384xf32, #tpu.memory_space<hbm>>)
    %add3A_371 = arith.constant 728 : i32
    %add3A_372 = arith.addi %mul3A_2, %add3A_371 : i32
    %multiple_of3A_373 = tpu.assume_multiple %add3A_372, 8 : i32
    %dma_start3A_374 = arith.constant 0 : i32
    %dma_start3A_375 = tpu.memref_slice %arg3[%multiple_of3A_373, %dma_start3A_374] : memref<25088x384xf32, #tpu.memory_space<hbm>> -> memref<56x384xf32, #tpu.memory_space<hbm>>
    %dma_start3A_376 = arith.constant 0 : i32
    %dma_start3A_377 = tpu.memref_slice %arg3[%multiple_of3A_373, %dma_start3A_376] : memref<25088x384xf32, #tpu.memory_space<hbm>> -> memref<56x384xf32, #tpu.memory_space<hbm>>
    tpu.enqueue_dma source(%arg7 : memref<56x384xf32, #tpu.memory_space<vmem>>) target(%dma_start3A_377 : memref<56x384xf32, #tpu.memory_space<hbm>>) target_semaphore(%arg11 : memref<!tpu.dma_semaphore, #tpu.memory_space<semaphore_mem>>)
    %add3A_378 = arith.constant 672 : i32
    %add3A_379 = arith.addi %mul3A_2, %add3A_378 : i32
    %multiple_of3A_380 = tpu.assume_multiple %add3A_379, 8 : i32
    %dma_wait3A_381 = arith.constant 0 : i32
    %dma_wait3A_382 = tpu.memref_slice %arg3[%multiple_of3A_380, %dma_wait3A_381] : memref<25088x384xf32, #tpu.memory_space<hbm>> -> memref<56x384xf32, #tpu.memory_space<hbm>>
    %dma_wait3A_383 = arith.constant 0 : i32
    %dma_wait3A_384 = tpu.memref_slice %arg3[%multiple_of3A_380, %dma_wait3A_383] : memref<25088x384xf32, #tpu.memory_space<hbm>> -> memref<56x384xf32, #tpu.memory_space<hbm>>
    tpu.wait_dma2 semaphore(%arg10 : memref<!tpu.dma_semaphore, #tpu.memory_space<semaphore_mem>>) src(%arg6 : memref<56x384xf32, #tpu.memory_space<vmem>>) dst(%dma_wait3A_384 : memref<56x384xf32, #tpu.memory_space<hbm>>)
    %add3A_385 = arith.constant 728 : i32
    %add3A_386 = arith.addi %mul3A_2, %add3A_385 : i32
    %multiple_of3A_387 = tpu.assume_multiple %add3A_386, 8 : i32
    %dma_wait3A_388 = arith.constant 0 : i32
    %dma_wait3A_389 = tpu.memref_slice %arg3[%multiple_of3A_387, %dma_wait3A_388] : memref<25088x384xf32, #tpu.memory_space<hbm>> -> memref<56x384xf32, #tpu.memory_space<hbm>>
    %dma_wait3A_390 = arith.constant 0 : i32
    %dma_wait3A_391 = tpu.memref_slice %arg3[%multiple_of3A_387, %dma_wait3A_390] : memref<25088x384xf32, #tpu.memory_space<hbm>> -> memref<56x384xf32, #tpu.memory_space<hbm>>
    tpu.wait_dma2 semaphore(%arg11 : memref<!tpu.dma_semaphore, #tpu.memory_space<semaphore_mem>>) src(%arg7 : memref<56x384xf32, #tpu.memory_space<vmem>>) dst(%dma_wait3A_391 : memref<56x384xf32, #tpu.memory_space<hbm>>)
    return
  }
}

</mosaic_0001>

<sc_bundles>
// kernel: kernel.3.cloned.1.call-start
scs
__scs_entry_jumppad:
0x0: {  	(pc) =	sbr.rel $0x88, $3  }
0x1: {  	(tag) =	ssettag $0x0;
	lr =	simm.s32 $0x1  }
0x2: {  	[smem:$0x3FA0] =	sst lr;
	_ =	strace $0xD0000000  }
0x3: {  	_ = 	snop  }
0x4: {  	_ = 	snop  }
0x5: {  	_ = 	snop  }
0x6: {  	_ = 	snop  }
0x7: {  	_ = 	snop  }
__scs_overlays_trampoline_lowered:
0x8: {  	[smem:$0x3FAF] =	sst s0  }
0x9: {  	[smem:$0x3FB0] =	sst s1  }
0xa: {  	[smem:$0x3FB1] =	sst s2  }
0xb: {  	[smem:$0x3FB2] =	sst s3  }
0xc: {  	[smem:$0x3FB3] =	sst s4  }
0xd: {  	[smem:$0x3FB4] =	sst s5  }
0xe: {  	[smem:$0x3FB5] =	sst s6  }
0xf: {  	[smem:$0x3FB6] =	sst s7  }
0x10: {  	[smem:$0x3FB7] =	sst s8  }
0x11: {  	[smem:$0x3FB8] =	sst s9;
	s0 =	simm.s32 @!p0 $0x0  }
0x12: {  	s1 =	sld [smem:$0x3F9E];
	s0 =	simm.s32 @p0 $0x1  }
0x13: {  	[smem:$0x3FB9] =	sst s0;
	s0 =	simm.s32 @!p1 $0x0  }
0x14: {  	s2 =	sld [smem:$0x3F9D];
	s0 =	simm.s32 @p1 $0x1  }
0x15: {  	[smem:$0x3FBA] =	sst s0;
	s0 =	simm.s32 @!p2 $0x0  }
0x16: {  	s3 =	sld [smem:$0x3FDB];
	s0 =	simm.s32 @p2 $0x1  }
0x17: {  	s4 =	simm.s32 $0x1BF5;
	[smem:$0x3FBC] =	sst s0  }
0x18: {  	s0 =	sld [smem:$0x3F9F];
	_ =	swait.ge [sflag:s4], $0x0  }
0x19: {  	s7 =	sld [smem:$0x3FA0]  }
0x1a: {  	s8 =	sadd.s32 $0xFFFFE003, lr  }
0x1b: {  	s9 =	sadd.s32 $0xFFFFFEF7, lr;
	s5 =	simm.s32 $0xFFFFFFFF;
	p2 =	slt.u32 s8, $0xFFFFF086  }
0x1c: {  	p1 =	slt.u32 s9, $0xF7A;
	s5 =	simm.s32 @!p2 $0x0  }
0x1d: {  	s5 =	simm.s32 @p1 $0x1;
	p0 =	seq.s32 s7, s2  }
0x1e: {  	s7 =	smul.u32 @!p0 $0xF7A, s2;
	p2 =	seq.s32 @!p0 s5, $0x0  }
0x1f: {  	s9 =	smul.u32 $0xF7A, s1;
	s8 =	simm.s32 @!p0 $0x1BF5;
	p2 =	por !p2, p0  }
0x20: {  	[sflag:s8] =	ssyncset.s32 @!p0 $0xFFFFF086;
	s6 =	sadd.s32 @!p0 s3, s7;
	s7 =	simm.s32 @!p0 $0x108  }
0x21: {  	s3 =	sadd.s32 s3, s9;
	s6 =	sadd.s32 @!p0 $0x88, s6;
	s7 =	simm.s32 @p2 $0x1082  }
0x22: {  	[simem:s7], [sflag:s8] =	dma.local @!p0 [hbm:s6], $0xF7A  }
0x23: {  	s9 =	sor.u32 $0xD0000000, s2;
	s6 =	simm.s32 $0x108;
	_ =	swait.ge @!p0 [sflag:s8], $0x0  }
0x24: {  	s3 =	sadd.s32 $0x88, s3;
	s6 =	simm.s32 @!p1 $0x1082;
	[sflag:s4] =	ssyncset.s32 $0xFFFFF086  }
0x25: {  	[simem:s6], [sflag:s4] =	dma.local [hbm:s3], $0xF7A  }
0x26: {  	[smem:$0x3FA0] =	sst s1;
	(tag) =	ssettag s2;
	_ =	strace s9  }
0x27: {  	s1 =	sld [smem:$0x3FB0]  }
0x28: {  	s2 =	sld [smem:$0x3FB1]  }
0x29: {  	s4 =	sld [smem:$0x3FB3]  }
0x2a: {  	p0 =	seq.s32 s5, $0x0;
	s5 =	sld [smem:$0x3FB4]  }
0x2b: {  	s6 =	sld [smem:$0x3FB5]  }
0x2c: {  	s7 =	sld [smem:$0x3FB6]  }
0x2d: {  	s3 =	simm.s32 $0x108;
	s8 =	sld [smem:$0x3FB7]  }
0x2e: {  	s3 =	simm.s32 @!p0 $0x1082;
	s9 =	sld [smem:$0x3FB8]  }
0x2f: {  	lr =	sadd.s32 s0, s3;
	s0 =	sld [smem:$0x3FAF]  }
0x30: {  	s3 =	sld [smem:$0x3FB2]  }
0x31: {  	[smem:$0x3FBB] =	sst s10  }
0x32: {  	s10 =	sld [smem:$0x3FB9];
	_ =	sdelay $0x3  }
0x33: {  	p0 =	seq.s32 s10, $0x1;
	s10 =	sld [smem:$0x3FBB];
	_ =	sdelay $0x3  }
0x34: {  	[smem:$0x3FBB] =	sst s10  }
0x35: {  	s10 =	sld [smem:$0x3FBA];
	_ =	sdelay $0x3  }
0x36: {  	p1 =	seq.s32 s10, $0x1;
	s10 =	sld [smem:$0x3FBB];
	_ =	sdelay $0x3  }
0x37: {  	[smem:$0x3FBB] =	sst s10  }
0x38: {  	s10 =	sld [smem:$0x3FBC]  }
0x39: {  	_ = 	snop;
	(pc) =	sbr.ind lr, $3  }
0x3a: {  	_ = 	snop  }
0x3b: {  	_ = 	snop  }
0x3c: {  	p2 =	seq.s32 s10, $0x1;
	s10 =	sld [smem:$0x3FBB]  }
0x3d: {  	_ =	shalt  }
0x3e: {  	_ =	shalt  }
0x3f: {  	_ =	shalt  }
0x40: {  	_ =	shalt  }
0x41: {  	_ =	shalt  }
0x42: {  	_ =	shalt  }
0x43: {  	_ =	shalt  }
0x44: {  	_ =	shalt  }
0x45: {  	_ =	shalt  }
0x46: {  	_ =	shalt  }
0x47: {  	_ =	shalt  }
0x48: {  	_ =	shalt  }
0x49: {  	_ =	shalt  }
0x4a: {  	_ =	shalt  }
0x4b: {  	_ =	shalt  }
0x4c: {  	_ =	shalt  }
0x4d: {  	_ =	shalt  }
0x4e: {  	_ =	shalt  }
0x4f: {  	_ =	shalt  }
0x50: {  	_ =	shalt  }
0x51: {  	_ =	shalt  }
0x52: {  	_ =	shalt  }
0x53: {  	_ =	shalt  }
0x54: {  	_ =	shalt  }
0x55: {  	_ =	shalt  }
0x56: {  	_ =	shalt  }
0x57: {  	_ =	shalt  }
0x58: {  	_ =	shalt  }
0x59: {  	_ =	shalt  }
0x5a: {  	_ =	shalt  }
0x5b: {  	_ =	shalt  }
0x5c: {  	_ =	shalt  }
0x5d: {  	_ =	shalt  }
0x5e: {  	_ =	shalt  }
0x5f: {  	_ =	shalt  }
0x60: {  	_ =	shalt  }
0x61: {  	_ =	shalt  }
0x62: {  	_ =	shalt  }
0x63: {  	_ =	shalt  }
0x64: {  	_ =	shalt  }
0x65: {  	_ =	shalt  }
0x66: {  	_ =	shalt  }
0x67: {  	_ =	shalt  }
0x68: {  	_ =	shalt  }
0x69: {  	_ =	shalt  }
0x6a: {  	_ =	shalt  }
0x6b: {  	_ =	shalt  }
0x6c: {  	_ =	shalt  }
0x6d: {  	_ =	shalt  }
0x6e: {  	_ =	shalt  }
0x6f: {  	_ =	shalt  }
0x70: {  	_ =	shalt  }
0x71: {  	_ =	shalt  }
0x72: {  	_ =	shalt  }
0x73: {  	_ =	shalt  }
0x74: {  	_ =	shalt  }
0x75: {  	_ =	shalt  }
0x76: {  	_ =	shalt  }
0x77: {  	_ =	shalt  }
0x78: {  	_ =	shalt  }
0x79: {  	_ =	shalt  }
0x7a: {  	_ =	shalt  }
0x7b: {  	_ =	shalt  }
0x7c: {  	_ =	shalt  }
0x7d: {  	_ =	shalt  }
0x7e: {  	_ =	shalt  }
0x7f: {  	_ =	shalt  }
0x80: {  	_ =	shalt  }
0x81: {  	_ =	shalt  }
0x82: {  	_ =	shalt  }
0x83: {  	_ =	shalt  }
0x84: {  	_ =	shalt  }
0x85: {  	_ =	shalt  }
0x86: {  	_ =	shalt  }
0x87: {  	_ =	shalt  }
.Lfunc_end0:
.L_simem_size_0:
called_computation_lowered:
.L_overlay_start_0:
0x88: {  	s2 =	sld [smem:$0x3FD9]  }
0x89: {  	s3 =	sld [smem:$0x3FFE];
	_ =	sdelay $0x1  }
0x8a: {  	s1 =	srdreg.scid  }
0x8b: {  	s0 =	sand.u32 $0x1, s1  }
0x8c: {  	s18 =	sshll.u32 s0, $0xA;
	s2 =	sadd.s32 s3, s2  }
0x8d: {  	s2 =	sadd.s32 s2, s18  }
0x8e: {  	[smem:$0x3FC7] =	sst s2  }
0x8f: {  	_ = 	snop  }
0x90: {  	s2 =	sld [smem:$0x3FC9]  }
0x91: {  	s19 =	sld [smem:$0x3FD0];
	(tm) =	ssettm $0x1  }
0x92: {  	s4 =	sld [smem:$0x3FFB];
	_ =	sdelay $0x3  }
0x93: {  	_ =	strace s4  }
0x94: {  	s4 =	sld [smem:$0x3FFC];
	_ =	sdelay $0x3  }
0x95: {  	_ =	strace s4  }
0x96: {  	s4 =	sld [smem:$0x3FFD];
	_ =	sdelay $0x3  }
0x97: {  	_ =	strace s4  }
0x98: {  	_ =	strace $0x8FFFFFFF  }
0x99: {  	s20 =	sld [smem:$0x3FDB];
	_ =	sdelay $0x1  }
0x9a: {  	s5 =	simm.s32 $_scs_section_size  }
0x9b: {  	s6 =	simm.s32 $_size__tile_overlayer_lowered;
	s7 =	simm.s32 $_tile_overlayer_lowered  }
0x9c: {  	s23 =	simm.s32 $0x1BFF;
	s22 =	sshll.u32 s7, $0x1;
	s4 =	sadd.s32 s5, s20  }
0x9d: {  	s8 =	simm.s32 $0x0;
	s21 =	sshll.u32 s6, $0x1;
	s6 =	sadd.s32 s22, s4  }
0x9e: {  	[timem:s8], [sflag:s23] =	dma.local [hbm:s6], s21  }
0x9f: {  	_ =	swait.ge [sflag:s23], s21  }
0xa0: {  	s5 =	ssub.s32 $0x0, s21;
	[sflag:s23] =	ssyncset.done $0x0  }
0xa1: {  	[sflag:s23] =	ssyncadd.s32 s5;
	_ =	sdelay $0x1  }
0xa2: {  	s24 =	simm.s32 $0x1B8B  }
0xa3: {  	_ =	swait.ge [sflag:s24], $0x1  }
0xa4: {  	[sflag:s24] =	ssyncset.done $0x0  }
0xa5: {  	s25 =	simm.s32 $0x1B8E;
	[sflag:s24] =	ssyncadd.s32 $0xFFFFFFFF  }
0xa6: {  	s26 =	simm.s32 $execute0_lowered;
	[smem:$0x3FD2] =	sst s25  }
0xa7: {  	s5 =	sshll.u32 s26, $0x1;
	_ =	strace $0x80000046;
	[dreg:$0x1] =	wrdreg $0xFFFFFFFF  }
0xa8: {  	s28 =	simm.s32 $_size_execute0_lowered;
	s4 =	sadd.s32 s4, s5;
	[dreg:$0x0] =	wrdreg $0x0  }
0xa9: {  	s5 =	sshll.u32 s28, $0x1;
	[dreg:$0x2] =	wrdreg s4  }
0xaa: {  	[dreg:$0x3] =	wrdreg s5  }
0xab: {  	[dreg:$0x4] =	wrdreg $0xC0  }
0xac: {  	_ =	task [dreg:s8], $0x5FFFF  }
0xad: {  	[dreg:$0x1] =	wrdreg $0xFFFFFFFF  }
0xae: {  	[dreg:$0x0] =	wrdreg $0x60  }
0xaf: {  	[dreg:$0x2] =	wrdreg s2  }
0xb0: {  	[dreg:$0x3] =	wrdreg s19  }
0xb1: {  	[dreg:$0x4] =	wrdreg $0x9  }
0xb2: {  	_ =	task.clear_ibuf [dreg:s8], $0x5FFFF;
	_ =	strace $0x90000046  }
0xb3: {  	s29 =	simm.s32 $0x9;
	_ =	strace $0x80000048  }
0xb4: {  	_ =	swait.ge [sflag:s29], $0x1  }
0xb5: {  	[sflag:s29] =	ssyncadd.s32 $0xFFFFFFFF  }
0xb6: {  	_ =	strace $0x90000048  }
0xb7: {  	_ =	sfence  }
0xb8: {  	s30 =	sld [smem:$0x0];
	_ =	sdelay $0x2  }
0xb9: {  	s31 =	sshll.u32 s1, $0xD;
	s1 =	sshrl.u32 s1, $0x2  }
0xba: {  	s3 =	sand.u32 $0x4000, s31;
	s1 =	sadd.s32 s1, s30  }
0xbb: {  	s0 =	sor.u32 s3, s0;
	s1 =	sshll.u32 s1, $0x11  }
0xbc: {  	s0 =	sor.u32 s1, s0  }
0xbd: {  	s0 =	sadd.s32 $0x8F2B, s0  }
0xbe: {  	[sflag:s0] =	ssyncadd.remote.s32 $0x1  }
0xbf: {  	_ =	sfence.sel $0xFFFF  }
0xc0: {  	[dreg:$0x0] =	wrdreg $0xFFFFFFFF;
	(pc) =	sbr.abs _section_cstart, $3  }
0xc1: {  	[dreg:$0x1] =	wrdreg $0xFFFFFFFF  }
0xc2: {  	_ =	task.clear_ibuf [dreg:s8], $0x2FFFF;
	_ =	strace $0x9FFFFFFF  }
0xc3: {  	(tm) =	ssettm $0x7FFFFFFF  }
tec
execute0_lowered:
.L_overlay_start_1:
0x0: {  	(tag) =	ssettag $0x1  }
0x1: {  	s0 =	srdreg.scid;
	s1 =	stileid.u32  }
0x2: {  	s0 =	sand.u32 $0x1, s0;
	s1 =	sshll.u32 s1, $0x1  }
0x3: {  	s3 =	rddreg [dreg:$0x0];
	s2 =	simm.s32 $0x0;
	s1 =	sor.u32 s0, s1  }
0x4: {  	[smem:$0x7FF] =	sst s2;
	s0 =	ssub.s32 $0x2, s0;
	s4 =	smul.u32 $0x310, s1  }
0x5: {  	p0 =	por $0x0, $0x0;
	s1 =	rddreg [dreg:$0x1];
	s20 =	sshrl.u32 s0, $0x1  }
0x6: {  	_ =	strace $0x80000047;
	s0 =	ssub.s32 s0, s20;
	s5 =	sshrl.u32 s4, $0x3  }
0x7: {  	s6 =	sadd.s32 $0x38, s4;
	s18 =	sadd.s32 $0xA8, s4;
	s23 =	sadd.s32 $0x118, s4  }
0x8: {  	s26 =	sadd.s32 $0x188, s4;
	s11 =	sadd.s32 $0x1F8, s4;
	s14 =	sadd.s32 $0x268, s4  }
0x9: {  	s4 =	sadd.s32 $0x2D8, s4;
	s0 =	smax.u32 s0, $0x1;
	s5 =	smul.u32 $0x180, s5  }
0xa: {  	s6 =	sshrl.u32 s6, $0x3;
	s24 =	sshrl.u32 s23, $0x3;
	s12 =	sshrl.u32 s11, $0x3  }
0xb: {  	s4 =	sshrl.u32 s4, $0x3;
	p1 =	sne.s32 s0, $0x1;
	s6 =	smul.u32 $0x180, s6  }
0xc: {  	s11 =	simm.s32 $0x4;
	s4 =	smul.u32 $0x180, s4;
	s7 =	sadd.s32 s3, s5  }
0xd: {  	s8 =	sadd.s32 s1, s5;
	s9 =	sadd.s32 $0x1500, s5;
	s25 =	sadd.s32 $0x2A00, s5  }
0xe: {  	s10 =	sadd.s32 $0x3F00, s5;
	s13 =	sadd.s32 $0x5400, s5;
	s15 =	sadd.s32 $0x6900, s5  }
0xf: {  	s5 =	sadd.s32 $0x7E00, s5;
	[dreg:$0x3] =	wrdreg s7;
	s17 =	sadd.s32 s3, s6  }
0x10: {  	s7 =	sshrl.u32 s18, $0x3;
	[dreg:$0x5] =	wrdreg s8;
	s19 =	sadd.s32 s3, s9  }
0x11: {  	s6 =	sadd.s32 s1, s6;
	s22 =	sadd.s32 s1, s9;
	s31 =	sadd.s32 s3, s25  }
0x12: {  	s9 =	sshrl.u32 s26, $0x3;
	s26 =	sadd.s32 s1, s25;
	[dreg:$0x4] =	wrdreg s17  }
0x13: {  	s28 =	sadd.s32 s3, s10;
	s23 =	sadd.s32 s3, s13;
	[dreg:$0x6] =	wrdreg s19  }
0x14: {  	s18 =	sadd.s32 s1, s13;
	s7 =	smul.u32 $0x180, s7;
	[dreg:$0x7] =	wrdreg s6  }
0x15: {  	s13 =	simm.s32 $0x1;
	[dreg:$0x9] =	wrdreg s22;
	s6 =	smul.u32 $0x180, s24  }
0x16: {  	s22 =	sadd.s32 s1, s10;
	s19 =	sadd.s32 s3, s15;
	s10 =	simm.s32 $0x2  }
0x17: {  	s21 =	sadd.s32 s3, s7;
	s29 =	sadd.s32 s1, s7;
	s7 =	smul.u32 $0x180, s9  }
0x18: {  	s30 =	sadd.s32 s3, s6;
	s24 =	sadd.s32 s1, s6;
	s6 =	smul.u32 $0x180, s12  }
0x19: {  	s25 =	sadd.s32 s3, s7;
	s20 =	sadd.s32 s1, s7;
	s7 =	sshrl.u32 s14, $0x3  }
0x1a: {  	s9 =	sadd.s32 s3, s4;
	s12 =	simm.s32 $0x5400;
	s7 =	smul.u32 $0x180, s7  }
.Ltmp0:
0x1b: {  	[dreg:$0x8] =	wrdreg s21;
	s21 =	sadd.s32 s3, s6;
	(pc) =	sbr.rel @!p1 .LBB2_3-.Ltmp0, $4  }
0x1c: {  	s16 =	sadd.s32 s1, s6;
	s14 =	sadd.s32 s1, s15;
	s15 =	sadd.s32 s3, s5  }
0x1d: {  	s5 =	sadd.s32 s1, s5;
	s6 =	simm.s32 $0x3;
	s17 =	sadd.s32 s3, s7  }
0x1e: {  	s8 =	sadd.s32 s1, s7;
	s3 =	sadd.s32 s1, s4;
	s1 =	sadd.s32 $0xFFFFFFFF, s0  }
0x1f: {  	s4 =	simm.s32 $0xA800;
	s7 =	simm.s32 $0xFC00;
	s0 =	rddreg [dreg:$0x3]  }
0x20: {  	[dreg:$0xa] =	wrdreg s1  }
0x21: {  	[tilespmem:s2], [sflag:$0x1] =	stream.linear.gather [hbm4b:s0+s2], $0x5400, $0x38;
	[tilespmem:$0x15000] =	vst v63  }
0x22: {  	s1 =	rddreg [dreg:$0x4]  }
0x23: {  	[tilespmem:s12], [sflag:$0x2] =	stream.linear.gather [hbm4b:s1+s2], $0x5400, $0x38;
	[tilespmem:$0x15000] =	vst v63  }
0x24: {  	_ =	swait.ge [sflag:s13], $0x5400  }
0x25: {  	[sflag:s13] =	ssyncset.done $0x0  }
0x26: {  	s0 =	rddreg [dreg:$0x5];
	[sflag:s13] =	ssyncadd.s32 $0xFFFFAC00  }
0x27: {  	[hbm4b:s0+s2] =	stream.linear.scatter [tilespmem:s4], [sflag:$0x3], $0x5400, $0x38;
	[tilespmem:$0x15000] =	vst v63  }
0x28: {  	s1 =	rddreg [dreg:$0x6]  }
0x29: {  	[tilespmem:s2], [sflag:$0x1] =	stream.linear.gather [hbm4b:s1+s2], $0x5400, $0x38;
	[tilespmem:$0x15000] =	vst v63  }
0x2a: {  	_ =	swait.ge [sflag:s10], $0x5400  }
0x2b: {  	[sflag:s10] =	ssyncset.done $0x0  }
0x2c: {  	s0 =	rddreg [dreg:$0x7];
	[sflag:s10] =	ssyncadd.s32 $0xFFFFAC00  }
0x2d: {  	[hbm4b:s0+s2] =	stream.linear.scatter [tilespmem:s7], [sflag:$0x4], $0x5400, $0x38;
	[tilespmem:$0x15000] =	vst v63  }
0x2e: {  	s1 =	rddreg [dreg:$0x8]  }
0x2f: {  	[tilespmem:s12], [sflag:$0x2] =	stream.linear.gather [hbm4b:s1+s2], $0x5400, $0x38;
	[tilespmem:$0x15000] =	vst v63  }
0x30: {  	_ =	swait.ge [sflag:s13], $0x5400  }
0x31: {  	[sflag:s13] =	ssyncset.done $0x0  }
0x32: {  	[sflag:s13] =	ssyncadd.s32 $0xFFFFAC00  }
0x33: {  	_ =	swait.ge [sflag:s6], $0x5400  }
0x34: {  	[sflag:s6] =	ssyncset.done $0x0  }
0x35: {  	s1 =	rddreg [dreg:$0x9];
	[sflag:s6] =	ssyncadd.s32 $0xFFFFAC00  }
0x36: {  	[hbm4b:s1+s2] =	stream.linear.scatter [tilespmem:s4], [sflag:$0x3], $0x5400, $0x38;
	[tilespmem:$0x15000] =	vst v63  }
0x37: {  	_ = 	snop  }
0x38: {  	[tilespmem:s2], [sflag:$0x1] =	stream.linear.gather [hbm4b:s31+s2], $0x5400, $0x38;
	[tilespmem:$0x15000] =	vst v63  }
0x39: {  	_ =	swait.ge [sflag:s10], $0x5400  }
0x3a: {  	[sflag:s10] =	ssyncset.done $0x0  }
0x3b: {  	[sflag:s10] =	ssyncadd.s32 $0xFFFFAC00  }
0x3c: {  	_ =	swait.ge [sflag:s11], $0x5400  }
0x3d: {  	[sflag:s11] =	ssyncset.done $0x0  }
0x3e: {  	[sflag:s11] =	ssyncadd.s32 $0xFFFFAC00  }
0x3f: {  	[hbm4b:s29+s2] =	stream.linear.scatter [tilespmem:s7], [sflag:$0x4], $0x5400, $0x38;
	[tilespmem:$0x15000] =	vst v63  }
0x40: {  	_ = 	snop  }
0x41: {  	[tilespmem:s12], [sflag:$0x2] =	stream.linear.gather [hbm4b:s30+s2], $0x5400, $0x38;
	[tilespmem:$0x15000] =	vst v63  }
0x42: {  	_ =	swait.ge [sflag:s13], $0x5400  }
0x43: {  	[sflag:s13] =	ssyncset.done $0x0  }
0x44: {  	[sflag:s13] =	ssyncadd.s32 $0xFFFFAC00  }
0x45: {  	_ =	swait.ge [sflag:s6], $0x5400  }
0x46: {  	[sflag:s6] =	ssyncset.done $0x0  }
0x47: {  	[sflag:s6] =	ssyncadd.s32 $0xFFFFAC00  }
0x48: {  	[hbm4b:s26+s2] =	stream.linear.scatter [tilespmem:s4], [sflag:$0x3], $0x5400, $0x38;
	[tilespmem:$0x15000] =	vst v63  }
0x49: {  	_ = 	snop  }
0x4a: {  	[tilespmem:s2], [sflag:$0x1] =	stream.linear.gather [hbm4b:s28+s2], $0x5400, $0x38;
	[tilespmem:$0x15000] =	vst v63  }
0x4b: {  	_ =	swait.ge [sflag:s10], $0x5400  }
0x4c: {  	[sflag:s10] =	ssyncset.done $0x0  }
0x4d: {  	[sflag:s10] =	ssyncadd.s32 $0xFFFFAC00  }
0x4e: {  	_ =	swait.ge [sflag:s11], $0x5400  }
0x4f: {  	[sflag:s11] =	ssyncset.done $0x0  }
0x50: {  	[sflag:s11] =	ssyncadd.s32 $0xFFFFAC00  }
0x51: {  	[hbm4b:s24+s2] =	stream.linear.scatter [tilespmem:s7], [sflag:$0x4], $0x5400, $0x38;
	[tilespmem:$0x15000] =	vst v63  }
0x52: {  	_ = 	snop  }
0x53: {  	[tilespmem:s12], [sflag:$0x2] =	stream.linear.gather [hbm4b:s25+s2], $0x5400, $0x38;
	[tilespmem:$0x15000] =	vst v63  }
0x54: {  	_ =	swait.ge [sflag:s13], $0x5400  }
0x55: {  	[sflag:s13] =	ssyncset.done $0x0  }
0x56: {  	[sflag:s13] =	ssyncadd.s32 $0xFFFFAC00  }
0x57: {  	_ =	swait.ge [sflag:s6], $0x5400  }
0x58: {  	[sflag:s6] =	ssyncset.done $0x0  }
0x59: {  	[sflag:s6] =	ssyncadd.s32 $0xFFFFAC00  }
0x5a: {  	[hbm4b:s22+s2] =	stream.linear.scatter [tilespmem:s4], [sflag:$0x3], $0x5400, $0x38;
	[tilespmem:$0x15000] =	vst v63  }
0x5b: {  	_ = 	snop  }
0x5c: {  	[tilespmem:s2], [sflag:$0x1] =	stream.linear.gather [hbm4b:s23+s2], $0x5400, $0x38;
	[tilespmem:$0x15000] =	vst v63  }
0x5d: {  	_ =	swait.ge [sflag:s10], $0x5400  }
0x5e: {  	[sflag:s10] =	ssyncset.done $0x0  }
0x5f: {  	[sflag:s10] =	ssyncadd.s32 $0xFFFFAC00  }
0x60: {  	_ =	swait.ge [sflag:s11], $0x5400  }
0x61: {  	[sflag:s11] =	ssyncset.done $0x0  }
0x62: {  	[sflag:s11] =	ssyncadd.s32 $0xFFFFAC00  }
0x63: {  	[hbm4b:s20+s2] =	stream.linear.scatter [tilespmem:s7], [sflag:$0x4], $0x5400, $0x38;
	[tilespmem:$0x15000] =	vst v63  }
0x64: {  	_ = 	snop  }
0x65: {  	[tilespmem:s12], [sflag:$0x2] =	stream.linear.gather [hbm4b:s21+s2], $0x5400, $0x38;
	[tilespmem:$0x15000] =	vst v63  }
0x66: {  	_ =	swait.ge [sflag:s13], $0x5400  }
0x67: {  	[sflag:s13] =	ssyncset.done $0x0  }
0x68: {  	[sflag:s13] =	ssyncadd.s32 $0xFFFFAC00  }
0x69: {  	_ =	swait.ge [sflag:s6], $0x5400  }
0x6a: {  	[sflag:s6] =	ssyncset.done $0x0  }
0x6b: {  	[sflag:s6] =	ssyncadd.s32 $0xFFFFAC00  }
0x6c: {  	[hbm4b:s18+s2] =	stream.linear.scatter [tilespmem:s4], [sflag:$0x3], $0x5400, $0x38;
	[tilespmem:$0x15000] =	vst v63  }
0x6d: {  	_ = 	snop  }
0x6e: {  	[tilespmem:s2], [sflag:$0x1] =	stream.linear.gather [hbm4b:s19+s2], $0x5400, $0x38;
	[tilespmem:$0x15000] =	vst v63  }
0x6f: {  	_ =	swait.ge [sflag:s10], $0x5400  }
0x70: {  	[sflag:s10] =	ssyncset.done $0x0  }
0x71: {  	[sflag:s10] =	ssyncadd.s32 $0xFFFFAC00  }
0x72: {  	_ =	swait.ge [sflag:s11], $0x5400  }
0x73: {  	[sflag:s11] =	ssyncset.done $0x0  }
0x74: {  	[sflag:s11] =	ssyncadd.s32 $0xFFFFAC00  }
0x75: {  	[hbm4b:s16+s2] =	stream.linear.scatter [tilespmem:s7], [sflag:$0x4], $0x5400, $0x38;
	[tilespmem:$0x15000] =	vst v63  }
0x76: {  	_ = 	snop  }
0x77: {  	[tilespmem:s12], [sflag:$0x2] =	stream.linear.gather [hbm4b:s17+s2], $0x5400, $0x38;
	[tilespmem:$0x15000] =	vst v63  }
0x78: {  	_ =	swait.ge [sflag:s13], $0x5400  }
0x79: {  	[sflag:s13] =	ssyncset.done $0x0  }
0x7a: {  	[sflag:s13] =	ssyncadd.s32 $0xFFFFAC00  }
0x7b: {  	_ =	swait.ge [sflag:s6], $0x5400  }
0x7c: {  	[sflag:s6] =	ssyncset.done $0x0  }
0x7d: {  	[sflag:s6] =	ssyncadd.s32 $0xFFFFAC00  }
0x7e: {  	[hbm4b:s14+s2] =	stream.linear.scatter [tilespmem:s4], [sflag:$0x3], $0x5400, $0x38;
	[tilespmem:$0x15000] =	vst v63  }
0x7f: {  	_ = 	snop  }
0x80: {  	[tilespmem:s2], [sflag:$0x1] =	stream.linear.gather [hbm4b:s15+s2], $0x5400, $0x38;
	[tilespmem:$0x15000] =	vst v63  }
0x81: {  	_ =	swait.ge [sflag:s10], $0x5400  }
0x82: {  	[sflag:s10] =	ssyncset.done $0x0  }
0x83: {  	[sflag:s10] =	ssyncadd.s32 $0xFFFFAC00  }
0x84: {  	_ =	swait.ge [sflag:s11], $0x5400  }
0x85: {  	[sflag:s11] =	ssyncset.done $0x0  }
0x86: {  	[sflag:s11] =	ssyncadd.s32 $0xFFFFAC00  }
0x87: {  	[hbm4b:s8+s2] =	stream.linear.scatter [tilespmem:s7], [sflag:$0x4], $0x5400, $0x38;
	[tilespmem:$0x15000] =	vst v63  }
0x88: {  	_ = 	snop  }
0x89: {  	[tilespmem:s12], [sflag:$0x2] =	stream.linear.gather [hbm4b:s9+s2], $0x5400, $0x38;
	[tilespmem:$0x15000] =	vst v63  }
0x8a: {  	_ =	swait.ge [sflag:s13], $0x5400  }
0x8b: {  	[sflag:s13] =	ssyncset.done $0x0  }
0x8c: {  	[sflag:s13] =	ssyncadd.s32 $0xFFFFAC00  }
0x8d: {  	_ =	swait.ge [sflag:s6], $0x5400  }
0x8e: {  	[sflag:s6] =	ssyncset.done $0x0  }
0x8f: {  	[sflag:s6] =	ssyncadd.s32 $0xFFFFAC00  }
0x90: {  	[hbm4b:s5+s2] =	stream.linear.scatter [tilespmem:s4], [sflag:$0x3], $0x5400, $0x38;
	[tilespmem:$0x15000] =	vst v63  }
0x91: {  	_ =	swait.ge [sflag:s10], $0x5400  }
0x92: {  	[sflag:s10] =	ssyncset.done $0x0  }
0x93: {  	[sflag:s10] =	ssyncadd.s32 $0xFFFFAC00  }
0x94: {  	_ =	swait.ge [sflag:s11], $0x5400  }
0x95: {  	[sflag:s11] =	ssyncset.done $0x0  }
0x96: {  	[sflag:s11] =	ssyncadd.s32 $0xFFFFAC00  }
0x97: {  	[hbm4b:s3+s2] =	stream.linear.scatter [tilespmem:s7], [sflag:$0x4], $0x5400, $0x38;
	[tilespmem:$0x15000] =	vst v63  }
0x98: {  	_ =	swait.ge [sflag:s6], $0x5400  }
0x99: {  	s1 =	rddreg [dreg:$0xa]  }
0x9a: {  	p1 =	sne.s32 s1, $0x1  }
.Ltmp1:
0x9b: {  	_ = 	snop;
	(pc) =	sbr.rel @!p1 .LBB2_3-.Ltmp1, $4  }
0x9c: {  	[sflag:s6] =	ssyncset.done $0x0  }
0x9d: {  	[sflag:s6] =	ssyncadd.s32 $0xFFFFAC00  }
0x9e: {  	p0 =	por $0x1, $0x1;
	_ =	swait.ge [sflag:s11], $0x5400  }
0x9f: {  	s1 =	sadd.s32 $0xFFFFFFFF, s1;
	s0 =	rddreg [dreg:$0x3];
	[sflag:s11] =	ssyncset.done $0x0  }
.LBB2_2:
0xa0: {  	[sflag:s11] =	ssyncadd.s32 $0xFFFFAC00;
	s4 =	simm.s32 $0x5400;
	s7 =	smov.u32 s31  }
0xa1: {  	s31 =	smov.u32 s30;
	s30 =	smov.u32 s29;
	s29 =	smov.u32 s28  }
0xa2: {  	s28 =	smov.u32 s26;
	s26 =	smov.u32 s25;
	s25 =	smov.u32 s24  }
0xa3: {  	s24 =	smov.u32 s23;
	s23 =	smov.u32 s22;
	s22 =	smov.u32 s21  }
0xa4: {  	s21 =	smov.u32 s20;
	s20 =	smov.u32 s19;
	s19 =	smov.u32 s18  }
0xa5: {  	s18 =	smov.u32 s17;
	s17 =	smov.u32 s16;
	s16 =	smov.u32 s15  }
0xa6: {  	s15 =	smov.u32 s14;
	s14 =	smov.u32 s9;
	s9 =	smov.u32 s8  }
0xa7: {  	[tilespmem:s2], [sflag:$0x1] =	stream.linear.gather [hbm4b:s0+s2], $0x5400, $0x38;
	[tilespmem:$0x15000] =	vst v63  }
0xa8: {  	s8 =	smov.u32 s5;
	s5 =	smov.u32 s3;
	s3 =	rddreg [dreg:$0x4]  }
0xa9: {  	[tilespmem:s4], [sflag:$0x2] =	stream.linear.gather [hbm4b:s3+s2], $0x5400, $0x38;
	[tilespmem:$0x15000] =	vst v63  }
0xaa: {  	_ =	swait.ge [sflag:s13], $0x5400  }
0xab: {  	[sflag:s13] =	ssyncset.done $0x0  }
0xac: {  	s12 =	simm.s32 $0xA800;
	s3 =	rddreg [dreg:$0x5];
	[sflag:s13] =	ssyncadd.s32 $0xFFFFAC00  }
0xad: {  	[hbm4b:s3+s2] =	stream.linear.scatter [tilespmem:s12], [sflag:$0x3], $0x5400, $0x38;
	[tilespmem:$0x15000] =	vst v63  }
0xae: {  	s4 =	rddreg [dreg:$0x6]  }
0xaf: {  	[tilespmem:s2], [sflag:$0x1] =	stream.linear.gather [hbm4b:s4+s2], $0x5400, $0x38;
	[tilespmem:$0x15000] =	vst v63  }
0xb0: {  	_ =	swait.ge [sflag:s10], $0x5400  }
0xb1: {  	[sflag:s10] =	ssyncset.done $0x0  }
0xb2: {  	s4 =	simm.s32 $0xFC00;
	s0 =	rddreg [dreg:$0x7];
	[sflag:s10] =	ssyncadd.s32 $0xFFFFAC00  }
0xb3: {  	[hbm4b:s0+s2] =	stream.linear.scatter [tilespmem:s4], [sflag:$0x4], $0x5400, $0x38;
	[tilespmem:$0x15000] =	vst v63  }
0xb4: {  	s12 =	simm.s32 $0x5400;
	s3 =	rddreg [dreg:$0x8]  }
0xb5: {  	[tilespmem:s12], [sflag:$0x2] =	stream.linear.gather [hbm4b:s3+s2], $0x5400, $0x38;
	[tilespmem:$0x15000] =	vst v63  }
0xb6: {  	s4 =	simm.s32 $0xA800;
	s3 =	smov.u32 s5  }
0xb7: {  	s5 =	smov.u32 s8;
	s8 =	smov.u32 s9;
	s9 =	smov.u32 s14  }
0xb8: {  	s14 =	smov.u32 s15;
	s15 =	smov.u32 s16;
	s16 =	smov.u32 s17  }
0xb9: {  	s17 =	smov.u32 s18;
	s18 =	smov.u32 s19;
	_ =	swait.ge [sflag:s13], $0x5400  }
0xba: {  	s19 =	smov.u32 s20;
	s20 =	smov.u32 s21;
	[sflag:s13] =	ssyncset.done $0x0  }
0xbb: {  	s21 =	smov.u32 s22;
	s22 =	smov.u32 s23;
	[sflag:s13] =	ssyncadd.s32 $0xFFFFAC00  }
0xbc: {  	s23 =	smov.u32 s24;
	s24 =	smov.u32 s25;
	_ =	swait.ge [sflag:s6], $0x5400  }
0xbd: {  	s25 =	smov.u32 s26;
	s26 =	smov.u32 s28;
	[sflag:s6] =	ssyncset.done $0x0  }
0xbe: {  	s28 =	smov.u32 s29;
	s0 =	rddreg [dreg:$0x9];
	[sflag:s6] =	ssyncadd.s32 $0xFFFFAC00  }
0xbf: {  	[hbm4b:s0+s2] =	stream.linear.scatter [tilespmem:s4], [sflag:$0x3], $0x5400, $0x38;
	[tilespmem:$0x15000] =	vst v63  }
0xc0: {  	s29 =	smov.u32 s30;
	s30 =	smov.u32 s31;
	s31 =	smov.u32 s7  }
0xc1: {  	[tilespmem:s2], [sflag:$0x1] =	stream.linear.gather [hbm4b:s31+s2], $0x5400, $0x38;
	[tilespmem:$0x15000] =	vst v63  }
0xc2: {  	_ =	swait.ge [sflag:s10], $0x5400  }
0xc3: {  	[sflag:s10] =	ssyncset.done $0x0  }
0xc4: {  	[sflag:s10] =	ssyncadd.s32 $0xFFFFAC00  }
0xc5: {  	_ =	swait.ge [sflag:s11], $0x5400  }
0xc6: {  	[sflag:s11] =	ssyncset.done $0x0  }
0xc7: {  	s7 =	simm.s32 $0xFC00;
	[sflag:s11] =	ssyncadd.s32 $0xFFFFAC00  }
0xc8: {  	[hbm4b:s29+s2] =	stream.linear.scatter [tilespmem:s7], [sflag:$0x4], $0x5400, $0x38;
	[tilespmem:$0x15000] =	vst v63  }
0xc9: {  	_ = 	snop  }
0xca: {  	[tilespmem:s12], [sflag:$0x2] =	stream.linear.gather [hbm4b:s30+s2], $0x5400, $0x38;
	[tilespmem:$0x15000] =	vst v63  }
0xcb: {  	_ =	swait.ge [sflag:s13], $0x5400  }
0xcc: {  	[sflag:s13] =	ssyncset.done $0x0  }
0xcd: {  	[sflag:s13] =	ssyncadd.s32 $0xFFFFAC00  }
0xce: {  	_ =	swait.ge [sflag:s6], $0x5400  }
0xcf: {  	[sflag:s6] =	ssyncset.done $0x0  }
0xd0: {  	[sflag:s6] =	ssyncadd.s32 $0xFFFFAC00  }
0xd1: {  	[hbm4b:s26+s2] =	stream.linear.scatter [tilespmem:s4], [sflag:$0x3], $0x5400, $0x38;
	[tilespmem:$0x15000] =	vst v63  }
0xd2: {  	_ = 	snop  }
0xd3: {  	[tilespmem:s2], [sflag:$0x1] =	stream.linear.gather [hbm4b:s28+s2], $0x5400, $0x38;
	[tilespmem:$0x15000] =	vst v63  }
0xd4: {  	_ =	swait.ge [sflag:s10], $0x5400  }
0xd5: {  	[sflag:s10] =	ssyncset.done $0x0  }
0xd6: {  	[sflag:s10] =	ssyncadd.s32 $0xFFFFAC00  }
0xd7: {  	_ =	swait.ge [sflag:s11], $0x5400  }
0xd8: {  	[sflag:s11] =	ssyncset.done $0x0  }
0xd9: {  	[sflag:s11] =	ssyncadd.s32 $0xFFFFAC00  }
0xda: {  	[hbm4b:s24+s2] =	stream.linear.scatter [tilespmem:s7], [sflag:$0x4], $0x5400, $0x38;
	[tilespmem:$0x15000] =	vst v63  }
0xdb: {  	_ = 	snop  }
0xdc: {  	[tilespmem:s12], [sflag:$0x2] =	stream.linear.gather [hbm4b:s25+s2], $0x5400, $0x38;
	[tilespmem:$0x15000] =	vst v63  }
0xdd: {  	_ =	swait.ge [sflag:s13], $0x5400  }
0xde: {  	[sflag:s13] =	ssyncset.done $0x0  }
0xdf: {  	[sflag:s13] =	ssyncadd.s32 $0xFFFFAC00  }
0xe0: {  	_ =	swait.ge [sflag:s6], $0x5400  }
0xe1: {  	[sflag:s6] =	ssyncset.done $0x0  }
0xe2: {  	[sflag:s6] =	ssyncadd.s32 $0xFFFFAC00  }
0xe3: {  	[hbm4b:s22+s2] =	stream.linear.scatter [tilespmem:s4], [sflag:$0x3], $0x5400, $0x38;
	[tilespmem:$0x15000] =	vst v63  }
0xe4: {  	_ = 	snop  }
0xe5: {  	[tilespmem:s2], [sflag:$0x1] =	stream.linear.gather [hbm4b:s23+s2], $0x5400, $0x38;
	[tilespmem:$0x15000] =	vst v63  }
0xe6: {  	_ =	swait.ge [sflag:s10], $0x5400  }
0xe7: {  	[sflag:s10] =	ssyncset.done $0x0  }
0xe8: {  	[sflag:s10] =	ssyncadd.s32 $0xFFFFAC00  }
0xe9: {  	_ =	swait.ge [sflag:s11], $0x5400  }
0xea: {  	[sflag:s11] =	ssyncset.done $0x0  }
0xeb: {  	[sflag:s11] =	ssyncadd.s32 $0xFFFFAC00  }
0xec: {  	[hbm4b:s20+s2] =	stream.linear.scatter [tilespmem:s7], [sflag:$0x4], $0x5400, $0x38;
	[tilespmem:$0x15000] =	vst v63  }
0xed: {  	_ = 	snop  }
0xee: {  	[tilespmem:s12], [sflag:$0x2] =	stream.linear.gather [hbm4b:s21+s2], $0x5400, $0x38;
	[tilespmem:$0x15000] =	vst v63  }
0xef: {  	_ =	swait.ge [sflag:s13], $0x5400  }
0xf0: {  	[sflag:s13] =	ssyncset.done $0x0  }
0xf1: {  	[sflag:s13] =	ssyncadd.s32 $0xFFFFAC00  }
0xf2: {  	_ =	swait.ge [sflag:s6], $0x5400  }
0xf3: {  	[sflag:s6] =	ssyncset.done $0x0  }
0xf4: {  	[sflag:s6] =	ssyncadd.s32 $0xFFFFAC00  }
0xf5: {  	[hbm4b:s18+s2] =	stream.linear.scatter [tilespmem:s4], [sflag:$0x3], $0x5400, $0x38;
	[tilespmem:$0x15000] =	vst v63  }
0xf6: {  	_ = 	snop  }
0xf7: {  	[tilespmem:s2], [sflag:$0x1] =	stream.linear.gather [hbm4b:s19+s2], $0x5400, $0x38;
	[tilespmem:$0x15000] =	vst v63  }
0xf8: {  	_ =	swait.ge [sflag:s10], $0x5400  }
0xf9: {  	[sflag:s10] =	ssyncset.done $0x0  }
0xfa: {  	[sflag:s10] =	ssyncadd.s32 $0xFFFFAC00  }
0xfb: {  	_ =	swait.ge [sflag:s11], $0x5400  }
0xfc: {  	[sflag:s11] =	ssyncset.done $0x0  }
0xfd: {  	[sflag:s11] =	ssyncadd.s32 $0xFFFFAC00  }
0xfe: {  	[hbm4b:s16+s2] =	stream.linear.scatter [tilespmem:s7], [sflag:$0x4], $0x5400, $0x38;
	[tilespmem:$0x15000] =	vst v63  }
0xff: {  	_ = 	snop  }
0x100: {  	[tilespmem:s12], [sflag:$0x2] =	stream.linear.gather [hbm4b:s17+s2], $0x5400, $0x38;
	[tilespmem:$0x15000] =	vst v63  }
0x101: {  	_ =	swait.ge [sflag:s13], $0x5400  }
0x102: {  	[sflag:s13] =	ssyncset.done $0x0  }
0x103: {  	[sflag:s13] =	ssyncadd.s32 $0xFFFFAC00  }
0x104: {  	_ =	swait.ge [sflag:s6], $0x5400  }
0x105: {  	[sflag:s6] =	ssyncset.done $0x0  }
0x106: {  	[sflag:s6] =	ssyncadd.s32 $0xFFFFAC00  }
0x107: {  	[hbm4b:s14+s2] =	stream.linear.scatter [tilespmem:s4], [sflag:$0x3], $0x5400, $0x38;
	[tilespmem:$0x15000] =	vst v63  }
0x108: {  	_ = 	snop  }
0x109: {  	[tilespmem:s2], [sflag:$0x1] =	stream.linear.gather [hbm4b:s15+s2], $0x5400, $0x38;
	[tilespmem:$0x15000] =	vst v63  }
0x10a: {  	_ =	swait.ge [sflag:s10], $0x5400  }
0x10b: {  	[sflag:s10] =	ssyncset.done $0x0  }
0x10c: {  	[sflag:s10] =	ssyncadd.s32 $0xFFFFAC00  }
0x10d: {  	_ =	swait.ge [sflag:s11], $0x5400  }
0x10e: {  	[sflag:s11] =	ssyncset.done $0x0  }
0x10f: {  	[sflag:s11] =	ssyncadd.s32 $0xFFFFAC00  }
0x110: {  	[hbm4b:s8+s2] =	stream.linear.scatter [tilespmem:s7], [sflag:$0x4], $0x5400, $0x38;
	[tilespmem:$0x15000] =	vst v63  }
0x111: {  	_ = 	snop  }
0x112: {  	[tilespmem:s12], [sflag:$0x2] =	stream.linear.gather [hbm4b:s9+s2], $0x5400, $0x38;
	[tilespmem:$0x15000] =	vst v63  }
0x113: {  	_ =	swait.ge [sflag:s13], $0x5400  }
0x114: {  	[sflag:s13] =	ssyncset.done $0x0  }
0x115: {  	[sflag:s13] =	ssyncadd.s32 $0xFFFFAC00  }
0x116: {  	_ =	swait.ge [sflag:s6], $0x5400  }
0x117: {  	[sflag:s6] =	ssyncset.done $0x0  }
0x118: {  	[sflag:s6] =	ssyncadd.s32 $0xFFFFAC00  }
0x119: {  	[hbm4b:s5+s2] =	stream.linear.scatter [tilespmem:s4], [sflag:$0x3], $0x5400, $0x38;
	[tilespmem:$0x15000] =	vst v63  }
0x11a: {  	_ =	swait.ge [sflag:s10], $0x5400  }
0x11b: {  	[sflag:s10] =	ssyncset.done $0x0  }
0x11c: {  	[sflag:s10] =	ssyncadd.s32 $0xFFFFAC00  }
0x11d: {  	_ =	swait.ge [sflag:s11], $0x5400  }
0x11e: {  	[sflag:s11] =	ssyncset.done $0x0  }
0x11f: {  	p1 =	sne.s32 s1, $0x1;
	[sflag:s11] =	ssyncadd.s32 $0xFFFFAC00  }
0x120: {  	[hbm4b:s3+s2] =	stream.linear.scatter [tilespmem:s7], [sflag:$0x4], $0x5400, $0x38;
	[tilespmem:$0x15000] =	vst v63  }
.Ltmp2:
0x121: {  	_ =	swait.ge [sflag:s6], $0x5400;
	(pc) =	sbr.rel @p1 .LBB2_2-.Ltmp2, $4  }
0x122: {  	[sflag:s6] =	ssyncset.done $0x0  }
0x123: {  	[sflag:s6] =	ssyncadd.s32 $0xFFFFAC00  }
0x124: {  	_ =	swait.ge [sflag:s11], $0x5400  }
0x125: {  	s1 =	sadd.s32 $0xFFFFFFFF, s1;
	s0 =	rddreg [dreg:$0x3];
	[sflag:s11] =	ssyncset.done $0x0  }
.LBB2_3:
0x126: {  	[sflag:s11] =	ssyncadd.s32 @p0 $0xFFFFAC00  }
0x127: {  	[tilespmem:s2], [sflag:$0x1] =	stream.linear.gather [hbm4b:s0+s2], $0x5400, $0x38;
	[tilespmem:$0x15000] =	vst v63  }
0x128: {  	s1 =	rddreg [dreg:$0x4]  }
0x129: {  	[tilespmem:s12], [sflag:$0x2] =	stream.linear.gather [hbm4b:s1+s2], $0x5400, $0x38;
	[tilespmem:$0x15000] =	vst v63  }
0x12a: {  	_ =	swait.ge [sflag:s13], $0x5400  }
0x12b: {  	[sflag:s13] =	ssyncset.done $0x0  }
0x12c: {  	s0 =	rddreg [dreg:$0x5];
	[sflag:s13] =	ssyncadd.s32 $0xFFFFAC00  }
0x12d: {  	[hbm4b:s0+s2] =	stream.linear.scatter [tilespmem:s4], [sflag:$0x3], $0x5400, $0x38;
	[tilespmem:$0x15000] =	vst v63  }
0x12e: {  	s1 =	rddreg [dreg:$0x6]  }
0x12f: {  	[tilespmem:s2], [sflag:$0x1] =	stream.linear.gather [hbm4b:s1+s2], $0x5400, $0x38;
	[tilespmem:$0x15000] =	vst v63  }
0x130: {  	_ =	swait.ge [sflag:s10], $0x5400  }
0x131: {  	[sflag:s10] =	ssyncset.done $0x0  }
0x132: {  	s0 =	rddreg [dreg:$0x7];
	[sflag:s10] =	ssyncadd.s32 $0xFFFFAC00  }
0x133: {  	[hbm4b:s0+s2] =	stream.linear.scatter [tilespmem:s7], [sflag:$0x4], $0x5400, $0x38;
	[tilespmem:$0x15000] =	vst v63  }
0x134: {  	s1 =	rddreg [dreg:$0x8]  }
0x135: {  	[tilespmem:s12], [sflag:$0x2] =	stream.linear.gather [hbm4b:s1+s2], $0x5400, $0x38;
	[tilespmem:$0x15000] =	vst v63  }
0x136: {  	_ =	swait.ge [sflag:s13], $0x5400  }
0x137: {  	[sflag:s13] =	ssyncset.done $0x0  }
0x138: {  	[sflag:s13] =	ssyncadd.s32 $0xFFFFAC00  }
0x139: {  	_ =	swait.ge [sflag:s6], $0x5400  }
0x13a: {  	[sflag:s6] =	ssyncset.done $0x0  }
0x13b: {  	s1 =	rddreg [dreg:$0x9];
	[sflag:s6] =	ssyncadd.s32 $0xFFFFAC00  }
0x13c: {  	[hbm4b:s1+s2] =	stream.linear.scatter [tilespmem:s4], [sflag:$0x3], $0x5400, $0x38;
	[tilespmem:$0x15000] =	vst v63  }
0x13d: {  	_ = 	snop  }
0x13e: {  	[tilespmem:s2], [sflag:$0x1] =	stream.linear.gather [hbm4b:s31+s2], $0x5400, $0x38;
	[tilespmem:$0x15000] =	vst v63  }
0x13f: {  	_ =	swait.ge [sflag:s10], $0x5400  }
0x140: {  	[sflag:s10] =	ssyncset.done $0x0  }
0x141: {  	[sflag:s10] =	ssyncadd.s32 $0xFFFFAC00  }
0x142: {  	_ =	swait.ge [sflag:s11], $0x5400  }
0x143: {  	[sflag:s11] =	ssyncset.done $0x0  }
0x144: {  	[sflag:s11] =	ssyncadd.s32 $0xFFFFAC00  }
0x145: {  	[hbm4b:s29+s2] =	stream.linear.scatter [tilespmem:s7], [sflag:$0x4], $0x5400, $0x38;
	[tilespmem:$0x15000] =	vst v63  }
0x146: {  	_ = 	snop  }
0x147: {  	[tilespmem:s12], [sflag:$0x2] =	stream.linear.gather [hbm4b:s30+s2], $0x5400, $0x38;
	[tilespmem:$0x15000] =	vst v63  }
0x148: {  	_ =	swait.ge [sflag:s13], $0x5400  }
0x149: {  	[sflag:s13] =	ssyncset.done $0x0  }
0x14a: {  	[sflag:s13] =	ssyncadd.s32 $0xFFFFAC00  }
0x14b: {  	_ =	swait.ge [sflag:s6], $0x5400  }
0x14c: {  	[sflag:s6] =	ssyncset.done $0x0  }
0x14d: {  	[sflag:s6] =	ssyncadd.s32 $0xFFFFAC00  }
0x14e: {  	[hbm4b:s26+s2] =	stream.linear.scatter [tilespmem:s4], [sflag:$0x3], $0x5400, $0x38;
	[tilespmem:$0x15000] =	vst v63  }
0x14f: {  	_ = 	snop  }
0x150: {  	[tilespmem:s2], [sflag:$0x1] =	stream.linear.gather [hbm4b:s28+s2], $0x5400, $0x38;
	[tilespmem:$0x15000] =	vst v63  }
0x151: {  	_ =	swait.ge [sflag:s10], $0x5400  }
0x152: {  	[sflag:s10] =	ssyncset.done $0x0  }
0x153: {  	[sflag:s10] =	ssyncadd.s32 $0xFFFFAC00  }
0x154: {  	_ =	swait.ge [sflag:s11], $0x5400  }
0x155: {  	[sflag:s11] =	ssyncset.done $0x0  }
0x156: {  	[sflag:s11] =	ssyncadd.s32 $0xFFFFAC00  }
0x157: {  	[hbm4b:s24+s2] =	stream.linear.scatter [tilespmem:s7], [sflag:$0x4], $0x5400, $0x38;
	[tilespmem:$0x15000] =	vst v63  }
0x158: {  	_ = 	snop  }
0x159: {  	[tilespmem:s12], [sflag:$0x2] =	stream.linear.gather [hbm4b:s25+s2], $0x5400, $0x38;
	[tilespmem:$0x15000] =	vst v63  }
0x15a: {  	_ =	swait.ge [sflag:s13], $0x5400  }
0x15b: {  	[sflag:s13] =	ssyncset.done $0x0  }
0x15c: {  	[sflag:s13] =	ssyncadd.s32 $0xFFFFAC00  }
0x15d: {  	_ =	swait.ge [sflag:s6], $0x5400  }
0x15e: {  	[sflag:s6] =	ssyncset.done $0x0  }
0x15f: {  	[sflag:s6] =	ssyncadd.s32 $0xFFFFAC00  }
0x160: {  	[hbm4b:s22+s2] =	stream.linear.scatter [tilespmem:s4], [sflag:$0x3], $0x5400, $0x38;
	[tilespmem:$0x15000] =	vst v63  }
0x161: {  	_ = 	snop  }
0x162: {  	[tilespmem:s2], [sflag:$0x1] =	stream.linear.gather [hbm4b:s23+s2], $0x5400, $0x38;
	[tilespmem:$0x15000] =	vst v63  }
0x163: {  	_ =	swait.ge [sflag:s10], $0x5400  }
0x164: {  	[sflag:s10] =	ssyncset.done $0x0  }
0x165: {  	[sflag:s10] =	ssyncadd.s32 $0xFFFFAC00  }
0x166: {  	_ =	swait.ge [sflag:s11], $0x5400  }
0x167: {  	[sflag:s11] =	ssyncset.done $0x0  }
0x168: {  	[sflag:s11] =	ssyncadd.s32 $0xFFFFAC00  }
0x169: {  	[hbm4b:s20+s2] =	stream.linear.scatter [tilespmem:s7], [sflag:$0x4], $0x5400, $0x38;
	[tilespmem:$0x15000] =	vst v63  }
0x16a: {  	_ = 	snop  }
0x16b: {  	[tilespmem:s12], [sflag:$0x2] =	stream.linear.gather [hbm4b:s21+s2], $0x5400, $0x38;
	[tilespmem:$0x15000] =	vst v63  }
0x16c: {  	_ =	swait.ge [sflag:s13], $0x5400  }
0x16d: {  	[sflag:s13] =	ssyncset.done $0x0  }
0x16e: {  	[sflag:s13] =	ssyncadd.s32 $0xFFFFAC00  }
0x16f: {  	_ =	swait.ge [sflag:s6], $0x5400  }
0x170: {  	[sflag:s6] =	ssyncset.done $0x0  }
0x171: {  	[sflag:s6] =	ssyncadd.s32 $0xFFFFAC00  }
0x172: {  	[hbm4b:s18+s2] =	stream.linear.scatter [tilespmem:s4], [sflag:$0x3], $0x5400, $0x38;
	[tilespmem:$0x15000] =	vst v63  }
0x173: {  	_ = 	snop  }
0x174: {  	[tilespmem:s2], [sflag:$0x1] =	stream.linear.gather [hbm4b:s19+s2], $0x5400, $0x38;
	[tilespmem:$0x15000] =	vst v63  }
0x175: {  	_ =	swait.ge [sflag:s10], $0x5400  }
0x176: {  	[sflag:s10] =	ssyncset.done $0x0  }
0x177: {  	[sflag:s10] =	ssyncadd.s32 $0xFFFFAC00  }
0x178: {  	_ =	swait.ge [sflag:s11], $0x5400  }
0x179: {  	[sflag:s11] =	ssyncset.done $0x0  }
0x17a: {  	[sflag:s11] =	ssyncadd.s32 $0xFFFFAC00  }
0x17b: {  	[hbm4b:s16+s2] =	stream.linear.scatter [tilespmem:s7], [sflag:$0x4], $0x5400, $0x38;
	[tilespmem:$0x15000] =	vst v63  }
0x17c: {  	_ = 	snop  }
0x17d: {  	[tilespmem:s12], [sflag:$0x2] =	stream.linear.gather [hbm4b:s17+s2], $0x5400, $0x38;
	[tilespmem:$0x15000] =	vst v63  }
0x17e: {  	_ =	swait.ge [sflag:s13], $0x5400  }
0x17f: {  	[sflag:s13] =	ssyncset.done $0x0  }
0x180: {  	[sflag:s13] =	ssyncadd.s32 $0xFFFFAC00  }
0x181: {  	_ =	swait.ge [sflag:s6], $0x5400  }
0x182: {  	[sflag:s6] =	ssyncset.done $0x0  }
0x183: {  	[sflag:s6] =	ssyncadd.s32 $0xFFFFAC00  }
0x184: {  	[hbm4b:s14+s2] =	stream.linear.scatter [tilespmem:s4], [sflag:$0x3], $0x5400, $0x38;
	[tilespmem:$0x15000] =	vst v63  }
0x185: {  	_ = 	snop  }
0x186: {  	[tilespmem:s2], [sflag:$0x1] =	stream.linear.gather [hbm4b:s15+s2], $0x5400, $0x38;
	[tilespmem:$0x15000] =	vst v63  }
0x187: {  	_ =	swait.ge [sflag:s10], $0x5400  }
0x188: {  	[sflag:s10] =	ssyncset.done $0x0  }
0x189: {  	[sflag:s10] =	ssyncadd.s32 $0xFFFFAC00  }
0x18a: {  	_ =	swait.ge [sflag:s11], $0x5400  }
0x18b: {  	[sflag:s11] =	ssyncset.done $0x0  }
0x18c: {  	[sflag:s11] =	ssyncadd.s32 $0xFFFFAC00  }
0x18d: {  	[hbm4b:s8+s2] =	stream.linear.scatter [tilespmem:s7], [sflag:$0x4], $0x5400, $0x38;
	[tilespmem:$0x15000] =	vst v63  }
0x18e: {  	_ = 	snop  }
0x18f: {  	[tilespmem:s12], [sflag:$0x2] =	stream.linear.gather [hbm4b:s9+s2], $0x5400, $0x38;
	[tilespmem:$0x15000] =	vst v63  }
0x190: {  	_ =	swait.ge [sflag:s13], $0x5400  }
0x191: {  	[sflag:s13] =	ssyncset.done $0x0  }
0x192: {  	[sflag:s13] =	ssyncadd.s32 $0xFFFFAC00  }
0x193: {  	_ =	swait.ge [sflag:s6], $0x5400  }
0x194: {  	[sflag:s6] =	ssyncset.done $0x0  }
0x195: {  	[sflag:s6] =	ssyncadd.s32 $0xFFFFAC00  }
0x196: {  	[hbm4b:s5+s2] =	stream.linear.scatter [tilespmem:s4], [sflag:$0x3], $0x5400, $0x38;
	[tilespmem:$0x15000] =	vst v63  }
0x197: {  	_ =	swait.ge [sflag:s10], $0x5400  }
0x198: {  	[sflag:s10] =	ssyncset.done $0x0  }
0x199: {  	[sflag:s10] =	ssyncadd.s32 $0xFFFFAC00  }
0x19a: {  	_ =	swait.ge [sflag:s11], $0x5400  }
0x19b: {  	[sflag:s11] =	ssyncset.done $0x0  }
0x19c: {  	[sflag:s11] =	ssyncadd.s32 $0xFFFFAC00  }
0x19d: {  	[hbm4b:s3+s2] =	stream.linear.scatter [tilespmem:s7], [sflag:$0x4], $0x5400, $0x38;
	[tilespmem:$0x15000] =	vst v63  }
0x19e: {  	_ =	swait.ge [sflag:s6], $0x5400  }
0x19f: {  	[sflag:s6] =	ssyncset.done $0x0  }
0x1a0: {  	[sflag:s6] =	ssyncadd.s32 $0xFFFFAC00  }
0x1a1: {  	_ =	swait.ge [sflag:s11], $0x5400  }
0x1a2: {  	[sflag:s11] =	ssyncset.done $0x0  }
0x1a3: {  	[sflag:s11] =	ssyncadd.s32 $0xFFFFAC00  }
0x1a4: {  	_ =	sfence.sel $0x180000  }
0x1a5: {  	[bflag:$0x0] =	sbarrier.arrive $0xFFFF  }
0x1a6: {  	_ =	strace $0x90000047  }
0x1a7: {  	s31 =	stileid.u32;
	[bflag:$0x2] =	sbarrier.arrive $0xFFFF  }
0x1a8: {  	p0 =	sne.s32 s31, $0x0;
	s0 =	rddreg [dreg:$0x2]  }
0x1a9: {  	s0 =	sadd.s32 @!p0 $0x100000, s0  }
0x1aa: {  	[sflag:s0] =	ssyncadd.tile.s32 @!p0 $0x1;
	_ =	shalt  }
.Lfunc_end2:
_tile_overlayer_lowered:
.L_overlay_start_2:
0x1ab: {  	(tag) =	ssettag $0x2  }
0x1ac: {  	s0 =	rddreg [dreg:$0x0];
	s2 =	stileid.u32  }
0x1ad: {  	s1 =	rddreg [dreg:$0x1];
	p0 =	sne.s32 s2, $0x0  }
0x1ae: {  	s3 =	rddreg [dreg:$0x2];
	[bflag:$0x3] =	sbarrier.arrive $0xFFFF;
	s2 =	simm.s32 @!p0 $0x1C05  }
0x1af: {  	[timem:s3], [sflag:s2] =	dma.local @!p0 [hbm:s0], s1  }
0x1b0: {  	s0 =	simm.s32 @!p0 $0x5  }
0x1b1: {  	_ =	swait.ge @!p0 [sflag:s0], s1  }
0x1b2: {  	s1 =	ssub.s32 @!p0 $0x0, s1;
	[sflag:s0] =	ssyncset.done @!p0 $0x0  }
0x1b3: {  	[sflag:s0] =	ssyncadd.s32 @!p0 s1  }
0x1b4: {  	[bflag:$0x3] =	sbarrier.arrive $0xFFFF  }
0x1b5: {  	_ =	shalt  }

</sc_bundles>
